<compile_context>
chip_gen: v7x
topology: tpu7x:2x2x1
jax: 0.10.2.dev20260603
libtpu: 0.0.44.dev20260713+nightly
codegen_flags: <defaults>
</compile_context>

<pallas_src>
import functools

import jax
import jax.numpy as jnp
from jax import lax
from jax.experimental import pallas as pl
from jax.experimental.pallas import tpu as pltpu
from jax.experimental.pallas import tpu_sc as plsc

LANES = 16
CHUNK = 40
GROUP = 1
ROW_UNROLL = 4
PAD_DIM = 64


def _pos_table(seq_len, dim):
    even_i = jnp.arange(0, dim, 2).astype(jnp.float32)
    denom = jnp.power(10000.0, even_i / dim)
    position = jnp.arange(seq_len, dtype=jnp.float32).reshape(seq_len, 1)
    even_pe = jnp.sin(position / denom)
    odd_pe = jnp.cos(position / denom)
    return jnp.stack([even_pe, odd_pe], axis=2).reshape(seq_len, dim)


@functools.partial(jax.jit, static_argnames=("n_rows", "seq", "dim", "nc", "ns"))
def _sc_embed(idx, emb, pe, n_rows, seq, dim, nc, ns):
    nw = nc * ns
    rows_per_w = n_rows // nw
    seqs_per_w = rows_per_w // seq
    n_groups = seqs_per_w // GROUP
    grows = GROUP * seq
    mesh = plsc.VectorSubcoreMesh(core_axis_name="c", subcore_axis_name="s")

    @functools.partial(
        pl.kernel,
        mesh=mesh,
        out_type=jax.ShapeDtypeStruct((n_rows, PAD_DIM), jnp.float32),
        scratch_types=[
            pltpu.VMEM((grows, dim), jnp.float32),
            pltpu.VMEM((grows,), jnp.int32),
            pltpu.VMEM((grows,), jnp.int32),
            pltpu.VMEM((grows, PAD_DIM), jnp.float32),
            pltpu.VMEM((grows, PAD_DIM), jnp.float32),
            pltpu.SemaphoreType.DMA,
            pltpu.SemaphoreType.DMA,
            pltpu.SemaphoreType.DMA,
            pltpu.SemaphoreType.DMA,
            pltpu.SemaphoreType.DMA,
            pltpu.SemaphoreType.DMA,
        ],
        compiler_params=pltpu.CompilerParams(use_tc_tiling_on_sc=False),
    )
    def k(idx_hbm, emb_hbm, pe_hbm, out_hbm,
          pe_v, idx0, idx1, rows0, rows1, g0, g1, i0, i1, o0, o1):
        idx_v = (idx0, idx1)
        rows_v = (rows0, rows1)
        gsem = (g0, g1)
        isem = (i0, i1)
        osem = (o0, o1)
        wid = lax.axis_index("s") * nc + lax.axis_index("c")
        base = wid * rows_per_w
        pltpu.sync_copy(pe_hbm, pe_v)

        def out_slice(g):
            return out_hbm.at[pl.ds(base + g * grows, grows)]

        def fire_gathers(b, g):
            for c in range(grows // CHUNK):
                pltpu.async_copy(
                    emb_hbm.at[idx_v[b].at[pl.ds(c * CHUNK, CHUNK)]],
                    rows_v[b].at[pl.ds(c * CHUNK, CHUNK)],
                    gsem[b],
                )

        def fire_idx(b, g):
            row0 = base + g * grows
            pltpu.async_copy(idx_hbm.at[pl.ds(row0, grows)], idx_v[b], isem[b])

        pltpu.sync_copy(idx_hbm.at[pl.ds(base, grows)], idx_v[0])
        fire_gathers(0, 0)
        fire_idx(1, 1)

        def body(gg, carry):
            for b in range(2):
                g = 2 * gg + b
                pltpu.make_async_copy(
                    emb_hbm.at[pl.ds(0, grows)], rows_v[b], gsem[b]).wait()

                @pl.when(g + 2 < n_groups)
                def _():
                    fire_idx(b, g + 2)

                @pl.when(g >= 1)
                def _():
                    pltpu.make_async_copy(
                        rows_v[1 - b], out_slice(0), osem[1 - b]).wait()

                @pl.when(g + 1 < n_groups)
                def _():
                    pltpu.make_async_copy(
                        idx_hbm.at[pl.ds(base, grows)], idx_v[1 - b],
                        isem[1 - b]).wait()
                    fire_gathers(1 - b, g + 1)

                def row_body(i, c2):
                    for u in range(ROW_UNROLL):
                        for j in range(dim // LANES):
                            plsc.addupdate(
                                rows_v[b].at[i + u, pl.ds(j * LANES, LANES)],
                                pe_v[i + u, pl.ds(j * LANES, LANES)],
                            )
                    return c2

                lax.fori_loop(0, grows // ROW_UNROLL,
                              lambda i, c: row_body(i * ROW_UNROLL, c), 0)

                pltpu.async_copy(rows_v[b], out_slice(g), osem[b])
            return carry

        lax.fori_loop(0, n_groups // 2, body, 0)

        lb = (n_groups - 1) % 2
        pltpu.make_async_copy(rows_v[lb], out_slice(0), osem[lb]).wait()

    return k(idx, emb, pe)


def kernel(x, embedding):
    b, s = x.shape
    v, d = embedding.shape
    idx = x.reshape(-1).astype(jnp.int32)
    pe = jnp.tile(_pos_table(s, d), (GROUP, 1))
    emb128 = jnp.pad(embedding, ((0, 0), (0, PAD_DIM - d)))
    info = plsc.get_sparse_core_info()
    out = _sc_embed(idx, emb128, pe, b * s, s, d,
                    info.num_cores, info.num_subcores)
    return out[:, :d].reshape(b, s, d)

# --- scband reference (transcript-rebuilt; emitter-appended) ---
"""Pipeline reference for scband-positional-embedding-17712445129498 (READ-ONLY COPY).

The authoritative reference and input builder live on the scoring server;
editing this copy changes nothing except your own understanding.
"""

import jax, jax.numpy as jnp
import numpy as np

VOCAB = 1000000
EMBED_DIM = 64
PADDING_IDX = 0


def _pos(max_sequence_length, embedding_dim):
    even_i = jnp.arange(0, embedding_dim, 2).astype(jnp.float32)
    denominator = jnp.power(10000.0, even_i / embedding_dim)
    position = jnp.arange(max_sequence_length, dtype=jnp.float32).reshape(max_sequence_length, 1)
    even_PE = jnp.sin(position / denominator)
    odd_PE = jnp.cos(position / denominator)
    stacked = jnp.stack([even_PE, odd_PE], axis=2)
    PE = stacked.reshape(max_sequence_length, embedding_dim)
    return PE


def setup_inputs(seed: int = 0) -> dict:
    key = jax.random.key(seed)
    k1, k2 = jax.random.split(key)
    x = jax.random.randint(k1, (4096, 200), 0, VOCAB, dtype=jnp.int64)
    embedding = jax.random.normal(k2, (VOCAB, EMBED_DIM), dtype=jnp.float32)
    embedding = embedding.at[PADDING_IDX].set(0.0)
    return {"x": x, "embedding": embedding}


def reference(x, embedding):
    # Embedding lookup (gather)
    e = jnp.take(embedding, x, axis=0)
    # Sinusoidal positional encoding added along sequence dim
    pe = _pos(x.shape[1], embedding.shape[1])
    out = e + pe[None, :, :]
    # Dropout is identity in eval mode
    return out

if __name__ == "__main__":
    import jax
    _d = setup_inputs()
    print(jax.jit(kernel)(*tuple(_d.values())))

</pallas_src>

<mosaic_0001>
#map = affine_map<(d0, d1) -> (0)>
#map1 = affine_map<(d0, d1) -> (0, 0)>
module attributes {stable_mosaic.version = 14 : i64} {
  func.func @k(%arg0: i32, %arg1: i32, %arg2: memref<819200xi32, #tpu.memory_space<hbm>>, %arg3: memref<1000000x64xf32, #tpu.memory_space<hbm>>, %arg4: memref<200x64xf32, #tpu.memory_space<hbm>>, %arg5: memref<819200x64xf32, #tpu.memory_space<hbm>>, %arg6: memref<200x64xf32, #tpu.memory_space<vmem>>, %arg7: memref<200xi32, #tpu.memory_space<vmem>>, %arg8: memref<200xi32, #tpu.memory_space<vmem>>, %arg9: memref<200x64xf32, #tpu.memory_space<vmem>>, %arg10: memref<200x64xf32, #tpu.memory_space<vmem>>, %arg11: memref<!tpu.dma_semaphore, #tpu.memory_space<semaphore_mem>>, %arg12: memref<!tpu.dma_semaphore, #tpu.memory_space<semaphore_mem>>, %arg13: memref<!tpu.dma_semaphore, #tpu.memory_space<semaphore_mem>>, %arg14: memref<!tpu.dma_semaphore, #tpu.memory_space<semaphore_mem>>, %arg15: memref<!tpu.dma_semaphore, #tpu.memory_space<semaphore_mem>>, %arg16: memref<!tpu.dma_semaphore, #tpu.memory_space<semaphore_mem>>) attributes {dimension_semantics = [#tpu.dimension_semantics<core_parallel>, #tpu.dimension_semantics<subcore_parallel>], iteration_bounds = array<i64: 2, 16>, scalar_prefetch = 0 : i64, scratch_operands = 11 : i64, tpu.core_type = #tpu.core_type<sc_vector_subcore>, window_params = [{transform_indices = #map}, {transform_indices = #map1}, {transform_indices = #map1}, {transform_indices = #map1}]} {
    %mul3A = arith.constant 2 : i32
    %mul3A_0 = arith.muli %arg1, %mul3A : i32
    %add3A = arith.addi %mul3A_0, %arg0 : i32
    %mul3A_1 = arith.constant 25600 : i32
    %mul3A_2 = arith.muli %add3A, %mul3A_1 : i32
    "tpu.region"() ({
      %run_scoped3A = tpu.sem_alloc : memref<!tpu.dma_semaphore, #tpu.memory_space<semaphore_mem>>
      tpu.enqueue_dma source(%arg4 : memref<200x64xf32, #tpu.memory_space<hbm>>) target(%arg6 : memref<200x64xf32, #tpu.memory_space<vmem>>) target_semaphore(%run_scoped3A : memref<!tpu.dma_semaphore, #tpu.memory_space<semaphore_mem>>)
      tpu.wait_dma2 semaphore(%run_scoped3A : memref<!tpu.dma_semaphore, #tpu.memory_space<semaphore_mem>>) src(%arg4 : memref<200x64xf32, #tpu.memory_space<hbm>>) dst(%arg6 : memref<200x64xf32, #tpu.memory_space<vmem>>)
      tpu.yield
    }) : () -> ()
    "tpu.region"() ({
      %run_scoped3A = tpu.sem_alloc : memref<!tpu.dma_semaphore, #tpu.memory_space<semaphore_mem>>
      %dma_start3A_56 = tpu.memref_slice %arg2[%mul3A_2] : memref<819200xi32, #tpu.memory_space<hbm>> -> memref<200xi32, #tpu.memory_space<hbm>>
      %dma_start3A_57 = tpu.memref_slice %arg2[%mul3A_2] : memref<819200xi32, #tpu.memory_space<hbm>> -> memref<200xi32, #tpu.memory_space<hbm>>
      tpu.enqueue_dma source(%dma_start3A_57 : memref<200xi32, #tpu.memory_space<hbm>>) target(%arg7 : memref<200xi32, #tpu.memory_space<vmem>>) target_semaphore(%run_scoped3A : memref<!tpu.dma_semaphore, #tpu.memory_space<semaphore_mem>>)
      %dma_wait3A_58 = tpu.memref_slice %arg2[%mul3A_2] : memref<819200xi32, #tpu.memory_space<hbm>> -> memref<200xi32, #tpu.memory_space<hbm>>
      %dma_wait3A_59 = tpu.memref_slice %arg2[%mul3A_2] : memref<819200xi32, #tpu.memory_space<hbm>> -> memref<200xi32, #tpu.memory_space<hbm>>
      tpu.wait_dma2 semaphore(%run_scoped3A : memref<!tpu.dma_semaphore, #tpu.memory_space<semaphore_mem>>) src(%dma_wait3A_59 : memref<200xi32, #tpu.memory_space<hbm>>) dst(%arg7 : memref<200xi32, #tpu.memory_space<vmem>>)
      tpu.yield
    }) : () -> ()
    %dma_start3A = arith.constant 0 : i32
    %dma_start3A_3 = arith.constant 0 : i32
    %dma_start3A_4 = tpu.memref_slice %arg9[%dma_start3A, %dma_start3A_3] : memref<200x64xf32, #tpu.memory_space<vmem>> -> memref<40x64xf32, #tpu.memory_space<vmem>>
    %dma_start3A_5 = arith.constant 0 : i32
    %dma_start3A_6 = tpu.memref_slice %arg7[%dma_start3A_5] : memref<200xi32, #tpu.memory_space<vmem>> -> memref<40xi32, #tpu.memory_space<vmem>>
    %dma_start3A_7 = arith.constant 0 : i32
    %dma_start3A_8 = arith.constant 0 : i32
    %dma_start3A_9 = tpu.memref_slice %arg3[%dma_start3A_7, %dma_start3A_8] : memref<1000000x64xf32, #tpu.memory_space<hbm>> -> memref<1000000x64xf32, #tpu.memory_space<hbm>>
    tpu.enqueue_indirect_dma source(%dma_start3A_9 : memref<1000000x64xf32, #tpu.memory_space<hbm>>) target(%dma_start3A_4 : memref<40x64xf32, #tpu.memory_space<vmem>>) offsets(%dma_start3A_6 : memref<40xi32, #tpu.memory_space<vmem>>) semaphore(%arg11 : memref<!tpu.dma_semaphore, #tpu.memory_space<semaphore_mem>>)
    %dma_start3A_10 = arith.constant 40 : i32
    %dma_start3A_11 = arith.constant 0 : i32
    %dma_start3A_12 = tpu.memref_slice %arg9[%dma_start3A_10, %dma_start3A_11] : memref<200x64xf32, #tpu.memory_space<vmem>> -> memref<40x64xf32, #tpu.memory_space<vmem>>
    %dma_start3A_13 = arith.constant 40 : i32
    %dma_start3A_14 = tpu.memref_slice %arg7[%dma_start3A_13] : memref<200xi32, #tpu.memory_space<vmem>> -> memref<40xi32, #tpu.memory_space<vmem>>
    %dma_start3A_15 = arith.constant 0 : i32
    %dma_start3A_16 = arith.constant 0 : i32
    %dma_start3A_17 = tpu.memref_slice %arg3[%dma_start3A_15, %dma_start3A_16] : memref<1000000x64xf32, #tpu.memory_space<hbm>> -> memref<1000000x64xf32, #tpu.memory_space<hbm>>
    tpu.enqueue_indirect_dma source(%dma_start3A_17 : memref<1000000x64xf32, #tpu.memory_space<hbm>>) target(%dma_start3A_12 : memref<40x64xf32, #tpu.memory_space<vmem>>) offsets(%dma_start3A_14 : memref<40xi32, #tpu.memory_space<vmem>>) semaphore(%arg11 : memref<!tpu.dma_semaphore, #tpu.memory_space<semaphore_mem>>)
    %dma_start3A_18 = arith.constant 80 : i32
    %dma_start3A_19 = arith.constant 0 : i32
    %dma_start3A_20 = tpu.memref_slice %arg9[%dma_start3A_18, %dma_start3A_19] : memref<200x64xf32, #tpu.memory_space<vmem>> -> memref<40x64xf32, #tpu.memory_space<vmem>>
    %dma_start3A_21 = arith.constant 80 : i32
    %dma_start3A_22 = tpu.memref_slice %arg7[%dma_start3A_21] : memref<200xi32, #tpu.memory_space<vmem>> -> memref<40xi32, #tpu.memory_space<vmem>>
    %dma_start3A_23 = arith.constant 0 : i32
    %dma_start3A_24 = arith.constant 0 : i32
    %dma_start3A_25 = tpu.memref_slice %arg3[%dma_start3A_23, %dma_start3A_24] : memref<1000000x64xf32, #tpu.memory_space<hbm>> -> memref<1000000x64xf32, #tpu.memory_space<hbm>>
    tpu.enqueue_indirect_dma source(%dma_start3A_25 : memref<1000000x64xf32, #tpu.memory_space<hbm>>) target(%dma_start3A_20 : memref<40x64xf32, #tpu.memory_space<vmem>>) offsets(%dma_start3A_22 : memref<40xi32, #tpu.memory_space<vmem>>) semaphore(%arg11 : memref<!tpu.dma_semaphore, #tpu.memory_space<semaphore_mem>>)
    %dma_start3A_26 = arith.constant 120 : i32
    %dma_start3A_27 = arith.constant 0 : i32
    %dma_start3A_28 = tpu.memref_slice %arg9[%dma_start3A_26, %dma_start3A_27] : memref<200x64xf32, #tpu.memory_space<vmem>> -> memref<40x64xf32, #tpu.memory_space<vmem>>
    %dma_start3A_29 = arith.constant 120 : i32
    %dma_start3A_30 = tpu.memref_slice %arg7[%dma_start3A_29] : memref<200xi32, #tpu.memory_space<vmem>> -> memref<40xi32, #tpu.memory_space<vmem>>
    %dma_start3A_31 = arith.constant 0 : i32
    %dma_start3A_32 = arith.constant 0 : i32
    %dma_start3A_33 = tpu.memref_slice %arg3[%dma_start3A_31, %dma_start3A_32] : memref<1000000x64xf32, #tpu.memory_space<hbm>> -> memref<1000000x64xf32, #tpu.memory_space<hbm>>
    tpu.enqueue_indirect_dma source(%dma_start3A_33 : memref<1000000x64xf32, #tpu.memory_space<hbm>>) target(%dma_start3A_28 : memref<40x64xf32, #tpu.memory_space<vmem>>) offsets(%dma_start3A_30 : memref<40xi32, #tpu.memory_space<vmem>>) semaphore(%arg11 : memref<!tpu.dma_semaphore, #tpu.memory_space<semaphore_mem>>)
    %dma_start3A_34 = arith.constant 160 : i32
    %dma_start3A_35 = arith.constant 0 : i32
    %dma_start3A_36 = tpu.memref_slice %arg9[%dma_start3A_34, %dma_start3A_35] : memref<200x64xf32, #tpu.memory_space<vmem>> -> memref<40x64xf32, #tpu.memory_space<vmem>>
    %dma_start3A_37 = arith.constant 160 : i32
    %dma_start3A_38 = tpu.memref_slice %arg7[%dma_start3A_37] : memref<200xi32, #tpu.memory_space<vmem>> -> memref<40xi32, #tpu.memory_space<vmem>>
    %dma_start3A_39 = arith.constant 0 : i32
    %dma_start3A_40 = arith.constant 0 : i32
    %dma_start3A_41 = tpu.memref_slice %arg3[%dma_start3A_39, %dma_start3A_40] : memref<1000000x64xf32, #tpu.memory_space<hbm>> -> memref<1000000x64xf32, #tpu.memory_space<hbm>>
    tpu.enqueue_indirect_dma source(%dma_start3A_41 : memref<1000000x64xf32, #tpu.memory_space<hbm>>) target(%dma_start3A_36 : memref<40x64xf32, #tpu.memory_space<vmem>>) offsets(%dma_start3A_38 : memref<40xi32, #tpu.memory_space<vmem>>) semaphore(%arg11 : memref<!tpu.dma_semaphore, #tpu.memory_space<semaphore_mem>>)
    %add3A_42 = arith.constant 200 : i32
    %add3A_43 = arith.addi %mul3A_2, %add3A_42 : i32
    %dma_start3A_44 = tpu.memref_slice %arg2[%add3A_43] : memref<819200xi32, #tpu.memory_space<hbm>> -> memref<200xi32, #tpu.memory_space<hbm>>
    %dma_start3A_45 = tpu.memref_slice %arg2[%add3A_43] : memref<819200xi32, #tpu.memory_space<hbm>> -> memref<200xi32, #tpu.memory_space<hbm>>
    tpu.enqueue_dma source(%dma_start3A_45 : memref<200xi32, #tpu.memory_space<hbm>>) target(%arg8 : memref<200xi32, #tpu.memory_space<vmem>>) target_semaphore(%arg14 : memref<!tpu.dma_semaphore, #tpu.memory_space<semaphore_mem>>)
    %scan3A = arith.constant 0 : i32
    %scan3A_46 = arith.constant 0 : i32
    %scan3A_47 = arith.constant 64 : i32
    %scan3A_48 = arith.addi %scan3A_46, %scan3A_47 : i32
    %scan3A_49 = arith.constant 1 : i32
    scf.for %scan3A_56 = %scan3A_46 to %scan3A_48 step %scan3A_49  : i32 {
      %mul3A_57 = arith.constant 2 : i32
      %mul3A_58 = arith.muli %mul3A_57, %scan3A_56 : i32
      %add3A_59 = arith.constant 0 : i32
      %add3A_60 = arith.addi %mul3A_58, %add3A_59 : i32
      %dma_wait3A_61 = arith.constant 0 : i32
      %dma_wait3A_62 = arith.constant 0 : i32
      %dma_wait3A_63 = tpu.memref_slice %arg3[%dma_wait3A_61, %dma_wait3A_62] : memref<1000000x64xf32, #tpu.memory_space<hbm>> -> memref<200x64xf32, #tpu.memory_space<hbm>>
      %dma_wait3A_64 = arith.constant 0 : i32
      %dma_wait3A_65 = arith.constant 0 : i32
      %dma_wait3A_66 = tpu.memref_slice %arg3[%dma_wait3A_64, %dma_wait3A_65] : memref<1000000x64xf32, #tpu.memory_space<hbm>> -> memref<200x64xf32, #tpu.memory_space<hbm>>
      tpu.wait_dma2 semaphore(%arg11 : memref<!tpu.dma_semaphore, #tpu.memory_space<semaphore_mem>>) src(%dma_wait3A_66 : memref<200x64xf32, #tpu.memory_space<hbm>>) dst(%arg9 : memref<200x64xf32, #tpu.memory_space<vmem>>)
      %add3A_67 = arith.constant 2 : i32
      %add3A_68 = arith.addi %add3A_60, %add3A_67 : i32
      %lt3A = arith.constant 128 : i32
      %lt3A_69 = arith.cmpi slt, %add3A_68, %lt3A : i32
      %convert_element_type3A = arith.extui %lt3A_69 : i1 to i32
      %cond3A = arith.constant 0 : i32
      %cond3A_70 = arith.cmpi ne, %convert_element_type3A, %cond3A : i32
      scf.if %cond3A_70 {
        %add3A_137 = arith.constant 2 : i32
        %add3A_138 = arith.addi %add3A_60, %add3A_137 : i32
        %mul3A_139 = arith.constant 200 : i32
        %mul3A_140 = arith.muli %add3A_138, %mul3A_139 : i32
        %add3A_141 = arith.addi %mul3A_2, %mul3A_140 : i32
        %dma_start3A_142 = tpu.memref_slice %arg2[%add3A_141] : memref<819200xi32, #tpu.memory_space<hbm>> -> memref<200xi32, #tpu.memory_space<hbm>>
        %dma_start3A_143 = tpu.memref_slice %arg2[%add3A_141] : memref<819200xi32, #tpu.memory_space<hbm>> -> memref<200xi32, #tpu.memory_space<hbm>>
        tpu.enqueue_dma source(%dma_start3A_143 : memref<200xi32, #tpu.memory_space<hbm>>) target(%arg7 : memref<200xi32, #tpu.memory_space<vmem>>) target_semaphore(%arg13 : memref<!tpu.dma_semaphore, #tpu.memory_space<semaphore_mem>>)
      } else {
      }
      %ge3A = arith.constant 1 : i32
      %ge3A_71 = arith.cmpi sge, %add3A_60, %ge3A : i32
      %convert_element_type3A_72 = arith.extui %ge3A_71 : i1 to i32
      %cond3A_73 = arith.constant 0 : i32
      %cond3A_74 = arith.cmpi ne, %convert_element_type3A_72, %cond3A_73 : i32
      scf.if %cond3A_74 {
        %add3A_137 = arith.constant 0 : i32
        %add3A_138 = arith.addi %mul3A_2, %add3A_137 : i32
        %dma_wait3A_139 = arith.constant 0 : i32
        %dma_wait3A_140 = tpu.memref_slice %arg5[%add3A_138, %dma_wait3A_139] : memref<819200x64xf32, #tpu.memory_space<hbm>> -> memref<200x64xf32, #tpu.memory_space<hbm>>
        %dma_wait3A_141 = arith.constant 0 : i32
        %dma_wait3A_142 = tpu.memref_slice %arg5[%add3A_138, %dma_wait3A_141] : memref<819200x64xf32, #tpu.memory_space<hbm>> -> memref<200x64xf32, #tpu.memory_space<hbm>>
        tpu.wait_dma2 semaphore(%arg16 : memref<!tpu.dma_semaphore, #tpu.memory_space<semaphore_mem>>) src(%arg10 : memref<200x64xf32, #tpu.memory_space<vmem>>) dst(%dma_wait3A_142 : memref<200x64xf32, #tpu.memory_space<hbm>>)
      } else {
      }
      %add3A_75 = arith.constant 1 : i32
      %add3A_76 = arith.addi %add3A_60, %add3A_75 : i32
      %lt3A_77 = arith.constant 128 : i32
      %lt3A_78 = arith.cmpi slt, %add3A_76, %lt3A_77 : i32
      %convert_element_type3A_79 = arith.extui %lt3A_78 : i1 to i32
      %cond3A_80 = arith.constant 0 : i32
      %cond3A_81 = arith.cmpi ne, %convert_element_type3A_79, %cond3A_80 : i32
      scf.if %cond3A_81 {
        %dma_wait3A_137 = tpu.memref_slice %arg2[%mul3A_2] : memref<819200xi32, #tpu.memory_space<hbm>> -> memref<200xi32, #tpu.memory_space<hbm>>
        %dma_wait3A_138 = tpu.memref_slice %arg2[%mul3A_2] : memref<819200xi32, #tpu.memory_space<hbm>> -> memref<200xi32, #tpu.memory_space<hbm>>
        tpu.wait_dma2 semaphore(%arg14 : memref<!tpu.dma_semaphore, #tpu.memory_space<semaphore_mem>>) src(%dma_wait3A_138 : memref<200xi32, #tpu.memory_space<hbm>>) dst(%arg8 : memref<200xi32, #tpu.memory_space<vmem>>)
        %add3A_139 = arith.constant 1 : i32
        %add3A_140 = arith.addi %add3A_60, %add3A_139 : i32
        %dma_start3A_141 = arith.constant 0 : i32
        %dma_start3A_142 = arith.constant 0 : i32
        %dma_start3A_143 = tpu.memref_slice %arg10[%dma_start3A_141, %dma_start3A_142] : memref<200x64xf32, #tpu.memory_space<vmem>> -> memref<40x64xf32, #tpu.memory_space<vmem>>
        %dma_start3A_144 = arith.constant 0 : i32
        %dma_start3A_145 = tpu.memref_slice %arg8[%dma_start3A_144] : memref<200xi32, #tpu.memory_space<vmem>> -> memref<40xi32, #tpu.memory_space<vmem>>
        %dma_start3A_146 = arith.constant 0 : i32
        %dma_start3A_147 = arith.constant 0 : i32
        %dma_start3A_148 = tpu.memref_slice %arg3[%dma_start3A_146, %dma_start3A_147] : memref<1000000x64xf32, #tpu.memory_space<hbm>> -> memref<1000000x64xf32, #tpu.memory_space<hbm>>
        tpu.enqueue_indirect_dma source(%dma_start3A_148 : memref<1000000x64xf32, #tpu.memory_space<hbm>>) target(%dma_start3A_143 : memref<40x64xf32, #tpu.memory_space<vmem>>) offsets(%dma_start3A_145 : memref<40xi32, #tpu.memory_space<vmem>>) semaphore(%arg12 : memref<!tpu.dma_semaphore, #tpu.memory_space<semaphore_mem>>)
        %dma_start3A_149 = arith.constant 40 : i32
        %dma_start3A_150 = arith.constant 0 : i32
        %dma_start3A_151 = tpu.memref_slice %arg10[%dma_start3A_149, %dma_start3A_150] : memref<200x64xf32, #tpu.memory_space<vmem>> -> memref<40x64xf32, #tpu.memory_space<vmem>>
        %dma_start3A_152 = arith.constant 40 : i32
        %dma_start3A_153 = tpu.memref_slice %arg8[%dma_start3A_152] : memref<200xi32, #tpu.memory_space<vmem>> -> memref<40xi32, #tpu.memory_space<vmem>>
        %dma_start3A_154 = arith.constant 0 : i32
        %dma_start3A_155 = arith.constant 0 : i32
        %dma_start3A_156 = tpu.memref_slice %arg3[%dma_start3A_154, %dma_start3A_155] : memref<1000000x64xf32, #tpu.memory_space<hbm>> -> memref<1000000x64xf32, #tpu.memory_space<hbm>>
        tpu.enqueue_indirect_dma source(%dma_start3A_156 : memref<1000000x64xf32, #tpu.memory_space<hbm>>) target(%dma_start3A_151 : memref<40x64xf32, #tpu.memory_space<vmem>>) offsets(%dma_start3A_153 : memref<40xi32, #tpu.memory_space<vmem>>) semaphore(%arg12 : memref<!tpu.dma_semaphore, #tpu.memory_space<semaphore_mem>>)
        %dma_start3A_157 = arith.constant 80 : i32
        %dma_start3A_158 = arith.constant 0 : i32
        %dma_start3A_159 = tpu.memref_slice %arg10[%dma_start3A_157, %dma_start3A_158] : memref<200x64xf32, #tpu.memory_space<vmem>> -> memref<40x64xf32, #tpu.memory_space<vmem>>
        %dma_start3A_160 = arith.constant 80 : i32
        %dma_start3A_161 = tpu.memref_slice %arg8[%dma_start3A_160] : memref<200xi32, #tpu.memory_space<vmem>> -> memref<40xi32, #tpu.memory_space<vmem>>
        %dma_start3A_162 = arith.constant 0 : i32
        %dma_start3A_163 = arith.constant 0 : i32
        %dma_start3A_164 = tpu.memref_slice %arg3[%dma_start3A_162, %dma_start3A_163] : memref<1000000x64xf32, #tpu.memory_space<hbm>> -> memref<1000000x64xf32, #tpu.memory_space<hbm>>
        tpu.enqueue_indirect_dma source(%dma_start3A_164 : memref<1000000x64xf32, #tpu.memory_space<hbm>>) target(%dma_start3A_159 : memref<40x64xf32, #tpu.memory_space<vmem>>) offsets(%dma_start3A_161 : memref<40xi32, #tpu.memory_space<vmem>>) semaphore(%arg12 : memref<!tpu.dma_semaphore, #tpu.memory_space<semaphore_mem>>)
        %dma_start3A_165 = arith.constant 120 : i32
        %dma_start3A_166 = arith.constant 0 : i32
        %dma_start3A_167 = tpu.memref_slice %arg10[%dma_start3A_165, %dma_start3A_166] : memref<200x64xf32, #tpu.memory_space<vmem>> -> memref<40x64xf32, #tpu.memory_space<vmem>>
        %dma_start3A_168 = arith.constant 120 : i32
        %dma_start3A_169 = tpu.memref_slice %arg8[%dma_start3A_168] : memref<200xi32, #tpu.memory_space<vmem>> -> memref<40xi32, #tpu.memory_space<vmem>>
        %dma_start3A_170 = arith.constant 0 : i32
        %dma_start3A_171 = arith.constant 0 : i32
        %dma_start3A_172 = tpu.memref_slice %arg3[%dma_start3A_170, %dma_start3A_171] : memref<1000000x64xf32, #tpu.memory_space<hbm>> -> memref<1000000x64xf32, #tpu.memory_space<hbm>>
        tpu.enqueue_indirect_dma source(%dma_start3A_172 : memref<1000000x64xf32, #tpu.memory_space<hbm>>) target(%dma_start3A_167 : memref<40x64xf32, #tpu.memory_space<vmem>>) offsets(%dma_start3A_169 : memref<40xi32, #tpu.memory_space<vmem>>) semaphore(%arg12 : memref<!tpu.dma_semaphore, #tpu.memory_space<semaphore_mem>>)
        %dma_start3A_173 = arith.constant 160 : i32
        %dma_start3A_174 = arith.constant 0 : i32
        %dma_start3A_175 = tpu.memref_slice %arg10[%dma_start3A_173, %dma_start3A_174] : memref<200x64xf32, #tpu.memory_space<vmem>> -> memref<40x64xf32, #tpu.memory_space<vmem>>
        %dma_start3A_176 = arith.constant 160 : i32
        %dma_start3A_177 = tpu.memref_slice %arg8[%dma_start3A_176] : memref<200xi32, #tpu.memory_space<vmem>> -> memref<40xi32, #tpu.memory_space<vmem>>
        %dma_start3A_178 = arith.constant 0 : i32
        %dma_start3A_179 = arith.constant 0 : i32
        %dma_start3A_180 = tpu.memref_slice %arg3[%dma_start3A_178, %dma_start3A_179] : memref<1000000x64xf32, #tpu.memory_space<hbm>> -> memref<1000000x64xf32, #tpu.memory_space<hbm>>
        tpu.enqueue_indirect_dma source(%dma_start3A_180 : memref<1000000x64xf32, #tpu.memory_space<hbm>>) target(%dma_start3A_175 : memref<40x64xf32, #tpu.memory_space<vmem>>) offsets(%dma_start3A_177 : memref<40xi32, #tpu.memory_space<vmem>>) semaphore(%arg12 : memref<!tpu.dma_semaphore, #tpu.memory_space<semaphore_mem>>)
      } else {
      }
      %scan3A_82 = arith.constant 0 : i32
      %scan3A_83 = arith.constant 0 : i32
      %scan3A_84 = arith.constant 50 : i32
      %scan3A_85 = arith.addi %scan3A_83, %scan3A_84 : i32
      %scan3A_86 = arith.constant 1 : i32
      scf.for %scan3A_137 = %scan3A_83 to %scan3A_85 step %scan3A_86  : i32 {
        %mul3A_138 = arith.constant 4 : i32
        %mul3A_139 = arith.muli %scan3A_137, %mul3A_138 : i32
        %add3A_140 = arith.constant 0 : i32
        %add3A_141 = arith.addi %mul3A_139, %add3A_140 : i32
        %add3A_142 = arith.constant 0 : i32
        %add3A_143 = arith.addi %mul3A_139, %add3A_142 : i32
        %get3A = arith.index_cast %add3A_143 : i32 to index
        %get3A_144 = arith.constant 0 : index
        %get3A_145 = tpu.vector_load %arg6[%get3A, %get3A_144] {strides = array<i32>} : memref<200x64xf32, #tpu.memory_space<vmem>>, vector<1x16xf32>,
        %get3A_146 = vector.shape_cast %get3A_145 : vector<1x16xf32> to vector<16xf32>
        %swap3A = arith.index_cast %add3A_141 : i32 to index
        %swap3A_147 = arith.constant 0 : index
        %swap3A_148 = tpu.vector_load %arg9[%swap3A, %swap3A_147] {strides = array<i32>} : memref<200x64xf32, #tpu.memory_space<vmem>>, vector<1x16xf32>,
        %swap3A_149 = vector.shape_cast %swap3A_148 : vector<1x16xf32> to vector<16xf32>
        %swap3A_150 = vector.shape_cast %get3A_146 : vector<16xf32> to vector<1x16xf32>
        tpu.vector_store %arg9[%swap3A, %swap3A_147], %swap3A_150 {add = true, strides = array<i32>} : memref<200x64xf32, #tpu.memory_space<vmem>>, vector<1x16xf32>,
        %add3A_151 = arith.constant 0 : i32
        %add3A_152 = arith.addi %mul3A_139, %add3A_151 : i32
        %add3A_153 = arith.constant 0 : i32
        %add3A_154 = arith.addi %mul3A_139, %add3A_153 : i32
        %get3A_155 = arith.index_cast %add3A_154 : i32 to index
        %get3A_156 = arith.constant 16 : index
        %get3A_157 = tpu.vector_load %arg6[%get3A_155, %get3A_156] {strides = array<i32>} : memref<200x64xf32, #tpu.memory_space<vmem>>, vector<1x16xf32>,
        %get3A_158 = vector.shape_cast %get3A_157 : vector<1x16xf32> to vector<16xf32>
        %swap3A_159 = arith.index_cast %add3A_152 : i32 to index
        %swap3A_160 = arith.constant 16 : index
        %swap3A_161 = tpu.vector_load %arg9[%swap3A_159, %swap3A_160] {strides = array<i32>} : memref<200x64xf32, #tpu.memory_space<vmem>>, vector<1x16xf32>,
        %swap3A_162 = vector.shape_cast %swap3A_161 : vector<1x16xf32> to vector<16xf32>
        %swap3A_163 = vector.shape_cast %get3A_158 : vector<16xf32> to vector<1x16xf32>
        tpu.vector_store %arg9[%swap3A_159, %swap3A_160], %swap3A_163 {add = true, strides = array<i32>} : memref<200x64xf32, #tpu.memory_space<vmem>>, vector<1x16xf32>,
        %add3A_164 = arith.constant 0 : i32
        %add3A_165 = arith.addi %mul3A_139, %add3A_164 : i32
        %add3A_166 = arith.constant 0 : i32
        %add3A_167 = arith.addi %mul3A_139, %add3A_166 : i32
        %get3A_168 = arith.index_cast %add3A_167 : i32 to index
        %get3A_169 = arith.constant 32 : index
        %get3A_170 = tpu.vector_load %arg6[%get3A_168, %get3A_169] {strides = array<i32>} : memref<200x64xf32, #tpu.memory_space<vmem>>, vector<1x16xf32>,
        %get3A_171 = vector.shape_cast %get3A_170 : vector<1x16xf32> to vector<16xf32>
        %swap3A_172 = arith.index_cast %add3A_165 : i32 to index
        %swap3A_173 = arith.constant 32 : index
        %swap3A_174 = tpu.vector_load %arg9[%swap3A_172, %swap3A_173] {strides = array<i32>} : memref<200x64xf32, #tpu.memory_space<vmem>>, vector<1x16xf32>,
        %swap3A_175 = vector.shape_cast %swap3A_174 : vector<1x16xf32> to vector<16xf32>
        %swap3A_176 = vector.shape_cast %get3A_171 : vector<16xf32> to vector<1x16xf32>
        tpu.vector_store %arg9[%swap3A_172, %swap3A_173], %swap3A_176 {add = true, strides = array<i32>} : memref<200x64xf32, #tpu.memory_space<vmem>>, vector<1x16xf32>,
        %add3A_177 = arith.constant 0 : i32
        %add3A_178 = arith.addi %mul3A_139, %add3A_177 : i32
        %add3A_179 = arith.constant 0 : i32
        %add3A_180 = arith.addi %mul3A_139, %add3A_179 : i32
        %get3A_181 = arith.index_cast %add3A_180 : i32 to index
        %get3A_182 = arith.constant 48 : index
        %get3A_183 = tpu.vector_load %arg6[%get3A_181, %get3A_182] {strides = array<i32>} : memref<200x64xf32, #tpu.memory_space<vmem>>, vector<1x16xf32>,
        %get3A_184 = vector.shape_cast %get3A_183 : vector<1x16xf32> to vector<16xf32>
        %swap3A_185 = arith.index_cast %add3A_178 : i32 to index
        %swap3A_186 = arith.constant 48 : index
        %swap3A_187 = tpu.vector_load %arg9[%swap3A_185, %swap3A_186] {strides = array<i32>} : memref<200x64xf32, #tpu.memory_space<vmem>>, vector<1x16xf32>,
        %swap3A_188 = vector.shape_cast %swap3A_187 : vector<1x16xf32> to vector<16xf32>
        %swap3A_189 = vector.shape_cast %get3A_184 : vector<16xf32> to vector<1x16xf32>
        tpu.vector_store %arg9[%swap3A_185, %swap3A_186], %swap3A_189 {add = true, strides = array<i32>} : memref<200x64xf32, #tpu.memory_space<vmem>>, vector<1x16xf32>,
        %add3A_190 = arith.constant 1 : i32
        %add3A_191 = arith.addi %mul3A_139, %add3A_190 : i32
        %add3A_192 = arith.constant 1 : i32
        %add3A_193 = arith.addi %mul3A_139, %add3A_192 : i32
        %get3A_194 = arith.index_cast %add3A_193 : i32 to index
        %get3A_195 = arith.constant 0 : index
        %get3A_196 = tpu.vector_load %arg6[%get3A_194, %get3A_195] {strides = array<i32>} : memref<200x64xf32, #tpu.memory_space<vmem>>, vector<1x16xf32>,
        %get3A_197 = vector.shape_cast %get3A_196 : vector<1x16xf32> to vector<16xf32>
        %swap3A_198 = arith.index_cast %add3A_191 : i32 to index
        %swap3A_199 = arith.constant 0 : index
        %swap3A_200 = tpu.vector_load %arg9[%swap3A_198, %swap3A_199] {strides = array<i32>} : memref<200x64xf32, #tpu.memory_space<vmem>>, vector<1x16xf32>,
        %swap3A_201 = vector.shape_cast %swap3A_200 : vector<1x16xf32> to vector<16xf32>
        %swap3A_202 = vector.shape_cast %get3A_197 : vector<16xf32> to vector<1x16xf32>
        tpu.vector_store %arg9[%swap3A_198, %swap3A_199], %swap3A_202 {add = true, strides = array<i32>} : memref<200x64xf32, #tpu.memory_space<vmem>>, vector<1x16xf32>,
        %add3A_203 = arith.constant 1 : i32
        %add3A_204 = arith.addi %mul3A_139, %add3A_203 : i32
        %add3A_205 = arith.constant 1 : i32
        %add3A_206 = arith.addi %mul3A_139, %add3A_205 : i32
        %get3A_207 = arith.index_cast %add3A_206 : i32 to index
        %get3A_208 = arith.constant 16 : index
        %get3A_209 = tpu.vector_load %arg6[%get3A_207, %get3A_208] {strides = array<i32>} : memref<200x64xf32, #tpu.memory_space<vmem>>, vector<1x16xf32>,
        %get3A_210 = vector.shape_cast %get3A_209 : vector<1x16xf32> to vector<16xf32>
        %swap3A_211 = arith.index_cast %add3A_204 : i32 to index
        %swap3A_212 = arith.constant 16 : index
        %swap3A_213 = tpu.vector_load %arg9[%swap3A_211, %swap3A_212] {strides = array<i32>} : memref<200x64xf32, #tpu.memory_space<vmem>>, vector<1x16xf32>,
        %swap3A_214 = vector.shape_cast %swap3A_213 : vector<1x16xf32> to vector<16xf32>
        %swap3A_215 = vector.shape_cast %get3A_210 : vector<16xf32> to vector<1x16xf32>
        tpu.vector_store %arg9[%swap3A_211, %swap3A_212], %swap3A_215 {add = true, strides = array<i32>} : memref<200x64xf32, #tpu.memory_space<vmem>>, vector<1x16xf32>,
        %add3A_216 = arith.constant 1 : i32
        %add3A_217 = arith.addi %mul3A_139, %add3A_216 : i32
        %add3A_218 = arith.constant 1 : i32
        %add3A_219 = arith.addi %mul3A_139, %add3A_218 : i32
        %get3A_220 = arith.index_cast %add3A_219 : i32 to index
        %get3A_221 = arith.constant 32 : index
        %get3A_222 = tpu.vector_load %arg6[%get3A_220, %get3A_221] {strides = array<i32>} : memref<200x64xf32, #tpu.memory_space<vmem>>, vector<1x16xf32>,
        %get3A_223 = vector.shape_cast %get3A_222 : vector<1x16xf32> to vector<16xf32>
        %swap3A_224 = arith.index_cast %add3A_217 : i32 to index
        %swap3A_225 = arith.constant 32 : index
        %swap3A_226 = tpu.vector_load %arg9[%swap3A_224, %swap3A_225] {strides = array<i32>} : memref<200x64xf32, #tpu.memory_space<vmem>>, vector<1x16xf32>,
        %swap3A_227 = vector.shape_cast %swap3A_226 : vector<1x16xf32> to vector<16xf32>
        %swap3A_228 = vector.shape_cast %get3A_223 : vector<16xf32> to vector<1x16xf32>
        tpu.vector_store %arg9[%swap3A_224, %swap3A_225], %swap3A_228 {add = true, strides = array<i32>} : memref<200x64xf32, #tpu.memory_space<vmem>>, vector<1x16xf32>,
        %add3A_229 = arith.constant 1 : i32
        %add3A_230 = arith.addi %mul3A_139, %add3A_229 : i32
        %add3A_231 = arith.constant 1 : i32
        %add3A_232 = arith.addi %mul3A_139, %add3A_231 : i32
        %get3A_233 = arith.index_cast %add3A_232 : i32 to index
        %get3A_234 = arith.constant 48 : index
        %get3A_235 = tpu.vector_load %arg6[%get3A_233, %get3A_234] {strides = array<i32>} : memref<200x64xf32, #tpu.memory_space<vmem>>, vector<1x16xf32>,
        %get3A_236 = vector.shape_cast %get3A_235 : vector<1x16xf32> to vector<16xf32>
        %swap3A_237 = arith.index_cast %add3A_230 : i32 to index
        %swap3A_238 = arith.constant 48 : index
        %swap3A_239 = tpu.vector_load %arg9[%swap3A_237, %swap3A_238] {strides = array<i32>} : memref<200x64xf32, #tpu.memory_space<vmem>>, vector<1x16xf32>,
        %swap3A_240 = vector.shape_cast %swap3A_239 : vector<1x16xf32> to vector<16xf32>
        %swap3A_241 = vector.shape_cast %get3A_236 : vector<16xf32> to vector<1x16xf32>
        tpu.vector_store %arg9[%swap3A_237, %swap3A_238], %swap3A_241 {add = true, strides = array<i32>} : memref<200x64xf32, #tpu.memory_space<vmem>>, vector<1x16xf32>,
        %add3A_242 = arith.constant 2 : i32
        %add3A_243 = arith.addi %mul3A_139, %add3A_242 : i32
        %add3A_244 = arith.constant 2 : i32
        %add3A_245 = arith.addi %mul3A_139, %add3A_244 : i32
        %get3A_246 = arith.index_cast %add3A_245 : i32 to index
        %get3A_247 = arith.constant 0 : index
        %get3A_248 = tpu.vector_load %arg6[%get3A_246, %get3A_247] {strides = array<i32>} : memref<200x64xf32, #tpu.memory_space<vmem>>, vector<1x16xf32>,
        %get3A_249 = vector.shape_cast %get3A_248 : vector<1x16xf32> to vector<16xf32>
        %swap3A_250 = arith.index_cast %add3A_243 : i32 to index
        %swap3A_251 = arith.constant 0 : index
        %swap3A_252 = tpu.vector_load %arg9[%swap3A_250, %swap3A_251] {strides = array<i32>} : memref<200x64xf32, #tpu.memory_space<vmem>>, vector<1x16xf32>,
        %swap3A_253 = vector.shape_cast %swap3A_252 : vector<1x16xf32> to vector<16xf32>
        %swap3A_254 = vector.shape_cast %get3A_249 : vector<16xf32> to vector<1x16xf32>
        tpu.vector_store %arg9[%swap3A_250, %swap3A_251], %swap3A_254 {add = true, strides = array<i32>} : memref<200x64xf32, #tpu.memory_space<vmem>>, vector<1x16xf32>,
        %add3A_255 = arith.constant 2 : i32
        %add3A_256 = arith.addi %mul3A_139, %add3A_255 : i32
        %add3A_257 = arith.constant 2 : i32
        %add3A_258 = arith.addi %mul3A_139, %add3A_257 : i32
        %get3A_259 = arith.index_cast %add3A_258 : i32 to index
        %get3A_260 = arith.constant 16 : index
        %get3A_261 = tpu.vector_load %arg6[%get3A_259, %get3A_260] {strides = array<i32>} : memref<200x64xf32, #tpu.memory_space<vmem>>, vector<1x16xf32>,
        %get3A_262 = vector.shape_cast %get3A_261 : vector<1x16xf32> to vector<16xf32>
        %swap3A_263 = arith.index_cast %add3A_256 : i32 to index
        %swap3A_264 = arith.constant 16 : index
        %swap3A_265 = tpu.vector_load %arg9[%swap3A_263, %swap3A_264] {strides = array<i32>} : memref<200x64xf32, #tpu.memory_space<vmem>>, vector<1x16xf32>,
        %swap3A_266 = vector.shape_cast %swap3A_265 : vector<1x16xf32> to vector<16xf32>
        %swap3A_267 = vector.shape_cast %get3A_262 : vector<16xf32> to vector<1x16xf32>
        tpu.vector_store %arg9[%swap3A_263, %swap3A_264], %swap3A_267 {add = true, strides = array<i32>} : memref<200x64xf32, #tpu.memory_space<vmem>>, vector<1x16xf32>,
        %add3A_268 = arith.constant 2 : i32
        %add3A_269 = arith.addi %mul3A_139, %add3A_268 : i32
        %add3A_270 = arith.constant 2 : i32
        %add3A_271 = arith.addi %mul3A_139, %add3A_270 : i32
        %get3A_272 = arith.index_cast %add3A_271 : i32 to index
        %get3A_273 = arith.constant 32 : index
        %get3A_274 = tpu.vector_load %arg6[%get3A_272, %get3A_273] {strides = array<i32>} : memref<200x64xf32, #tpu.memory_space<vmem>>, vector<1x16xf32>,
        %get3A_275 = vector.shape_cast %get3A_274 : vector<1x16xf32> to vector<16xf32>
        %swap3A_276 = arith.index_cast %add3A_269 : i32 to index
        %swap3A_277 = arith.constant 32 : index
        %swap3A_278 = tpu.vector_load %arg9[%swap3A_276, %swap3A_277] {strides = array<i32>} : memref<200x64xf32, #tpu.memory_space<vmem>>, vector<1x16xf32>,
        %swap3A_279 = vector.shape_cast %swap3A_278 : vector<1x16xf32> to vector<16xf32>
        %swap3A_280 = vector.shape_cast %get3A_275 : vector<16xf32> to vector<1x16xf32>
        tpu.vector_store %arg9[%swap3A_276, %swap3A_277], %swap3A_280 {add = true, strides = array<i32>} : memref<200x64xf32, #tpu.memory_space<vmem>>, vector<1x16xf32>,
        %add3A_281 = arith.constant 2 : i32
        %add3A_282 = arith.addi %mul3A_139, %add3A_281 : i32
        %add3A_283 = arith.constant 2 : i32
        %add3A_284 = arith.addi %mul3A_139, %add3A_283 : i32
        %get3A_285 = arith.index_cast %add3A_284 : i32 to index
        %get3A_286 = arith.constant 48 : index
        %get3A_287 = tpu.vector_load %arg6[%get3A_285, %get3A_286] {strides = array<i32>} : memref<200x64xf32, #tpu.memory_space<vmem>>, vector<1x16xf32>,
        %get3A_288 = vector.shape_cast %get3A_287 : vector<1x16xf32> to vector<16xf32>
        %swap3A_289 = arith.index_cast %add3A_282 : i32 to index
        %swap3A_290 = arith.constant 48 : index
        %swap3A_291 = tpu.vector_load %arg9[%swap3A_289, %swap3A_290] {strides = array<i32>} : memref<200x64xf32, #tpu.memory_space<vmem>>, vector<1x16xf32>,
        %swap3A_292 = vector.shape_cast %swap3A_291 : vector<1x16xf32> to vector<16xf32>
        %swap3A_293 = vector.shape_cast %get3A_288 : vector<16xf32> to vector<1x16xf32>
        tpu.vector_store %arg9[%swap3A_289, %swap3A_290], %swap3A_293 {add = true, strides = array<i32>} : memref<200x64xf32, #tpu.memory_space<vmem>>, vector<1x16xf32>,
        %add3A_294 = arith.constant 3 : i32
        %add3A_295 = arith.addi %mul3A_139, %add3A_294 : i32
        %add3A_296 = arith.constant 3 : i32
        %add3A_297 = arith.addi %mul3A_139, %add3A_296 : i32
        %get3A_298 = arith.index_cast %add3A_297 : i32 to index
        %get3A_299 = arith.constant 0 : index
        %get3A_300 = tpu.vector_load %arg6[%get3A_298, %get3A_299] {strides = array<i32>} : memref<200x64xf32, #tpu.memory_space<vmem>>, vector<1x16xf32>,
        %get3A_301 = vector.shape_cast %get3A_300 : vector<1x16xf32> to vector<16xf32>
        %swap3A_302 = arith.index_cast %add3A_295 : i32 to index
        %swap3A_303 = arith.constant 0 : index
        %swap3A_304 = tpu.vector_load %arg9[%swap3A_302, %swap3A_303] {strides = array<i32>} : memref<200x64xf32, #tpu.memory_space<vmem>>, vector<1x16xf32>,
        %swap3A_305 = vector.shape_cast %swap3A_304 : vector<1x16xf32> to vector<16xf32>
        %swap3A_306 = vector.shape_cast %get3A_301 : vector<16xf32> to vector<1x16xf32>
        tpu.vector_store %arg9[%swap3A_302, %swap3A_303], %swap3A_306 {add = true, strides = array<i32>} : memref<200x64xf32, #tpu.memory_space<vmem>>, vector<1x16xf32>,
        %add3A_307 = arith.constant 3 : i32
        %add3A_308 = arith.addi %mul3A_139, %add3A_307 : i32
        %add3A_309 = arith.constant 3 : i32
        %add3A_310 = arith.addi %mul3A_139, %add3A_309 : i32
        %get3A_311 = arith.index_cast %add3A_310 : i32 to index
        %get3A_312 = arith.constant 16 : index
        %get3A_313 = tpu.vector_load %arg6[%get3A_311, %get3A_312] {strides = array<i32>} : memref<200x64xf32, #tpu.memory_space<vmem>>, vector<1x16xf32>,
        %get3A_314 = vector.shape_cast %get3A_313 : vector<1x16xf32> to vector<16xf32>
        %swap3A_315 = arith.index_cast %add3A_308 : i32 to index
        %swap3A_316 = arith.constant 16 : index
        %swap3A_317 = tpu.vector_load %arg9[%swap3A_315, %swap3A_316] {strides = array<i32>} : memref<200x64xf32, #tpu.memory_space<vmem>>, vector<1x16xf32>,
        %swap3A_318 = vector.shape_cast %swap3A_317 : vector<1x16xf32> to vector<16xf32>
        %swap3A_319 = vector.shape_cast %get3A_314 : vector<16xf32> to vector<1x16xf32>
        tpu.vector_store %arg9[%swap3A_315, %swap3A_316], %swap3A_319 {add = true, strides = array<i32>} : memref<200x64xf32, #tpu.memory_space<vmem>>, vector<1x16xf32>,
        %add3A_320 = arith.constant 3 : i32
        %add3A_321 = arith.addi %mul3A_139, %add3A_320 : i32
        %add3A_322 = arith.constant 3 : i32
        %add3A_323 = arith.addi %mul3A_139, %add3A_322 : i32
        %get3A_324 = arith.index_cast %add3A_323 : i32 to index
        %get3A_325 = arith.constant 32 : index
        %get3A_326 = tpu.vector_load %arg6[%get3A_324, %get3A_325] {strides = array<i32>} : memref<200x64xf32, #tpu.memory_space<vmem>>, vector<1x16xf32>,
        %get3A_327 = vector.shape_cast %get3A_326 : vector<1x16xf32> to vector<16xf32>
        %swap3A_328 = arith.index_cast %add3A_321 : i32 to index
        %swap3A_329 = arith.constant 32 : index
        %swap3A_330 = tpu.vector_load %arg9[%swap3A_328, %swap3A_329] {strides = array<i32>} : memref<200x64xf32, #tpu.memory_space<vmem>>, vector<1x16xf32>,
        %swap3A_331 = vector.shape_cast %swap3A_330 : vector<1x16xf32> to vector<16xf32>
        %swap3A_332 = vector.shape_cast %get3A_327 : vector<16xf32> to vector<1x16xf32>
        tpu.vector_store %arg9[%swap3A_328, %swap3A_329], %swap3A_332 {add = true, strides = array<i32>} : memref<200x64xf32, #tpu.memory_space<vmem>>, vector<1x16xf32>,
        %add3A_333 = arith.constant 3 : i32
        %add3A_334 = arith.addi %mul3A_139, %add3A_333 : i32
        %add3A_335 = arith.constant 3 : i32
        %add3A_336 = arith.addi %mul3A_139, %add3A_335 : i32
        %get3A_337 = arith.index_cast %add3A_336 : i32 to index
        %get3A_338 = arith.constant 48 : index
        %get3A_339 = tpu.vector_load %arg6[%get3A_337, %get3A_338] {strides = array<i32>} : memref<200x64xf32, #tpu.memory_space<vmem>>, vector<1x16xf32>,
        %get3A_340 = vector.shape_cast %get3A_339 : vector<1x16xf32> to vector<16xf32>
        %swap3A_341 = arith.index_cast %add3A_334 : i32 to index
        %swap3A_342 = arith.constant 48 : index
        %swap3A_343 = tpu.vector_load %arg9[%swap3A_341, %swap3A_342] {strides = array<i32>} : memref<200x64xf32, #tpu.memory_space<vmem>>, vector<1x16xf32>,
        %swap3A_344 = vector.shape_cast %swap3A_343 : vector<1x16xf32> to vector<16xf32>
        %swap3A_345 = vector.shape_cast %get3A_340 : vector<16xf32> to vector<1x16xf32>
        tpu.vector_store %arg9[%swap3A_341, %swap3A_342], %swap3A_345 {add = true, strides = array<i32>} : memref<200x64xf32, #tpu.memory_space<vmem>>, vector<1x16xf32>,
      }
      %scan3A_87 = arith.constant 50 : i32
      %mul3A_88 = arith.constant 200 : i32
      %mul3A_89 = arith.muli %add3A_60, %mul3A_88 : i32
      %add3A_90 = arith.addi %mul3A_2, %mul3A_89 : i32
      %dma_start3A_91 = arith.constant 0 : i32
      %dma_start3A_92 = tpu.memref_slice %arg5[%add3A_90, %dma_start3A_91] : memref<819200x64xf32, #tpu.memory_space<hbm>> -> memref<200x64xf32, #tpu.memory_space<hbm>>
      %dma_start3A_93 = arith.constant 0 : i32
      %dma_start3A_94 = tpu.memref_slice %arg5[%add3A_90, %dma_start3A_93] : memref<819200x64xf32, #tpu.memory_space<hbm>> -> memref<200x64xf32, #tpu.memory_space<hbm>>
      tpu.enqueue_dma source(%arg9 : memref<200x64xf32, #tpu.memory_space<vmem>>) target(%dma_start3A_94 : memref<200x64xf32, #tpu.memory_space<hbm>>) target_semaphore(%arg15 : memref<!tpu.dma_semaphore, #tpu.memory_space<semaphore_mem>>)
      %mul3A_95 = arith.constant 2 : i32
      %mul3A_96 = arith.muli %mul3A_95, %scan3A_56 : i32
      %add3A_97 = arith.constant 1 : i32
      %add3A_98 = arith.addi %mul3A_96, %add3A_97 : i32
      %dma_wait3A_99 = arith.constant 0 : i32
      %dma_wait3A_100 = arith.constant 0 : i32
      %dma_wait3A_101 = tpu.memref_slice %arg3[%dma_wait3A_99, %dma_wait3A_100] : memref<1000000x64xf32, #tpu.memory_space<hbm>> -> memref<200x64xf32, #tpu.memory_space<hbm>>
      %dma_wait3A_102 = arith.constant 0 : i32
      %dma_wait3A_103 = arith.constant 0 : i32
      %dma_wait3A_104 = tpu.memref_slice %arg3[%dma_wait3A_102, %dma_wait3A_103] : memref<1000000x64xf32, #tpu.memory_space<hbm>> -> memref<200x64xf32, #tpu.memory_space<hbm>>
      tpu.wait_dma2 semaphore(%arg12 : memref<!tpu.dma_semaphore, #tpu.memory_space<semaphore_mem>>) src(%dma_wait3A_104 : memref<200x64xf32, #tpu.memory_space<hbm>>) dst(%arg10 : memref<200x64xf32, #tpu.memory_space<vmem>>)
      %add3A_105 = arith.constant 2 : i32
      %add3A_106 = arith.addi %add3A_98, %add3A_105 : i32
      %lt3A_107 = arith.constant 128 : i32
      %lt3A_108 = arith.cmpi slt, %add3A_106, %lt3A_107 : i32
      %convert_element_type3A_109 = arith.extui %lt3A_108 : i1 to i32
      %cond3A_110 = arith.constant 0 : i32
      %cond3A_111 = arith.cmpi ne, %convert_element_type3A_109, %cond3A_110 : i32
      scf.if %cond3A_111 {
        %add3A_137 = arith.constant 2 : i32
        %add3A_138 = arith.addi %add3A_98, %add3A_137 : i32
        %mul3A_139 = arith.constant 200 : i32
        %mul3A_140 = arith.muli %add3A_138, %mul3A_139 : i32
        %add3A_141 = arith.addi %mul3A_2, %mul3A_140 : i32
        %dma_start3A_142 = tpu.memref_slice %arg2[%add3A_141] : memref<819200xi32, #tpu.memory_space<hbm>> -> memref<200xi32, #tpu.memory_space<hbm>>
        %dma_start3A_143 = tpu.memref_slice %arg2[%add3A_141] : memref<819200xi32, #tpu.memory_space<hbm>> -> memref<200xi32, #tpu.memory_space<hbm>>
        tpu.enqueue_dma source(%dma_start3A_143 : memref<200xi32, #tpu.memory_space<hbm>>) target(%arg8 : memref<200xi32, #tpu.memory_space<vmem>>) target_semaphore(%arg14 : memref<!tpu.dma_semaphore, #tpu.memory_space<semaphore_mem>>)
      } else {
      }
      %ge3A_112 = arith.constant 1 : i32
      %ge3A_113 = arith.cmpi sge, %add3A_98, %ge3A_112 : i32
      %convert_element_type3A_114 = arith.extui %ge3A_113 : i1 to i32
      %cond3A_115 = arith.constant 0 : i32
      %cond3A_116 = arith.cmpi ne, %convert_element_type3A_114, %cond3A_115 : i32
      scf.if %cond3A_116 {
        %add3A_137 = arith.constant 0 : i32
        %add3A_138 = arith.addi %mul3A_2, %add3A_137 : i32
        %dma_wait3A_139 = arith.constant 0 : i32
        %dma_wait3A_140 = tpu.memref_slice %arg5[%add3A_138, %dma_wait3A_139] : memref<819200x64xf32, #tpu.memory_space<hbm>> -> memref<200x64xf32, #tpu.memory_space<hbm>>
        %dma_wait3A_141 = arith.constant 0 : i32
        %dma_wait3A_142 = tpu.memref_slice %arg5[%add3A_138, %dma_wait3A_141] : memref<819200x64xf32, #tpu.memory_space<hbm>> -> memref<200x64xf32, #tpu.memory_space<hbm>>
        tpu.wait_dma2 semaphore(%arg15 : memref<!tpu.dma_semaphore, #tpu.memory_space<semaphore_mem>>) src(%arg9 : memref<200x64xf32, #tpu.memory_space<vmem>>) dst(%dma_wait3A_142 : memref<200x64xf32, #tpu.memory_space<hbm>>)
      } else {
      }
      %add3A_117 = arith.constant 1 : i32
      %add3A_118 = arith.addi %add3A_98, %add3A_117 : i32
      %lt3A_119 = arith.constant 128 : i32
      %lt3A_120 = arith.cmpi slt, %add3A_118, %lt3A_119 : i32
      %convert_element_type3A_121 = arith.extui %lt3A_120 : i1 to i32
      %cond3A_122 = arith.constant 0 : i32
      %cond3A_123 = arith.cmpi ne, %convert_element_type3A_121, %cond3A_122 : i32
      scf.if %cond3A_123 {
        %dma_wait3A_137 = tpu.memref_slice %arg2[%mul3A_2] : memref<819200xi32, #tpu.memory_space<hbm>> -> memref<200xi32, #tpu.memory_space<hbm>>
        %dma_wait3A_138 = tpu.memref_slice %arg2[%mul3A_2] : memref<819200xi32, #tpu.memory_space<hbm>> -> memref<200xi32, #tpu.memory_space<hbm>>
        tpu.wait_dma2 semaphore(%arg13 : memref<!tpu.dma_semaphore, #tpu.memory_space<semaphore_mem>>) src(%dma_wait3A_138 : memref<200xi32, #tpu.memory_space<hbm>>) dst(%arg7 : memref<200xi32, #tpu.memory_space<vmem>>)
        %add3A_139 = arith.constant 1 : i32
        %add3A_140 = arith.addi %add3A_98, %add3A_139 : i32
        %dma_start3A_141 = arith.constant 0 : i32
        %dma_start3A_142 = arith.constant 0 : i32
        %dma_start3A_143 = tpu.memref_slice %arg9[%dma_start3A_141, %dma_start3A_142] : memref<200x64xf32, #tpu.memory_space<vmem>> -> memref<40x64xf32, #tpu.memory_space<vmem>>
        %dma_start3A_144 = arith.constant 0 : i32
        %dma_start3A_145 = tpu.memref_slice %arg7[%dma_start3A_144] : memref<200xi32, #tpu.memory_space<vmem>> -> memref<40xi32, #tpu.memory_space<vmem>>
        %dma_start3A_146 = arith.constant 0 : i32
        %dma_start3A_147 = arith.constant 0 : i32
        %dma_start3A_148 = tpu.memref_slice %arg3[%dma_start3A_146, %dma_start3A_147] : memref<1000000x64xf32, #tpu.memory_space<hbm>> -> memref<1000000x64xf32, #tpu.memory_space<hbm>>
        tpu.enqueue_indirect_dma source(%dma_start3A_148 : memref<1000000x64xf32, #tpu.memory_space<hbm>>) target(%dma_start3A_143 : memref<40x64xf32, #tpu.memory_space<vmem>>) offsets(%dma_start3A_145 : memref<40xi32, #tpu.memory_space<vmem>>) semaphore(%arg11 : memref<!tpu.dma_semaphore, #tpu.memory_space<semaphore_mem>>)
        %dma_start3A_149 = arith.constant 40 : i32
        %dma_start3A_150 = arith.constant 0 : i32
        %dma_start3A_151 = tpu.memref_slice %arg9[%dma_start3A_149, %dma_start3A_150] : memref<200x64xf32, #tpu.memory_space<vmem>> -> memref<40x64xf32, #tpu.memory_space<vmem>>
        %dma_start3A_152 = arith.constant 40 : i32
        %dma_start3A_153 = tpu.memref_slice %arg7[%dma_start3A_152] : memref<200xi32, #tpu.memory_space<vmem>> -> memref<40xi32, #tpu.memory_space<vmem>>
        %dma_start3A_154 = arith.constant 0 : i32
        %dma_start3A_155 = arith.constant 0 : i32
        %dma_start3A_156 = tpu.memref_slice %arg3[%dma_start3A_154, %dma_start3A_155] : memref<1000000x64xf32, #tpu.memory_space<hbm>> -> memref<1000000x64xf32, #tpu.memory_space<hbm>>
        tpu.enqueue_indirect_dma source(%dma_start3A_156 : memref<1000000x64xf32, #tpu.memory_space<hbm>>) target(%dma_start3A_151 : memref<40x64xf32, #tpu.memory_space<vmem>>) offsets(%dma_start3A_153 : memref<40xi32, #tpu.memory_space<vmem>>) semaphore(%arg11 : memref<!tpu.dma_semaphore, #tpu.memory_space<semaphore_mem>>)
        %dma_start3A_157 = arith.constant 80 : i32
        %dma_start3A_158 = arith.constant 0 : i32
        %dma_start3A_159 = tpu.memref_slice %arg9[%dma_start3A_157, %dma_start3A_158] : memref<200x64xf32, #tpu.memory_space<vmem>> -> memref<40x64xf32, #tpu.memory_space<vmem>>
        %dma_start3A_160 = arith.constant 80 : i32
        %dma_start3A_161 = tpu.memref_slice %arg7[%dma_start3A_160] : memref<200xi32, #tpu.memory_space<vmem>> -> memref<40xi32, #tpu.memory_space<vmem>>
        %dma_start3A_162 = arith.constant 0 : i32
        %dma_start3A_163 = arith.constant 0 : i32
        %dma_start3A_164 = tpu.memref_slice %arg3[%dma_start3A_162, %dma_start3A_163] : memref<1000000x64xf32, #tpu.memory_space<hbm>> -> memref<1000000x64xf32, #tpu.memory_space<hbm>>
        tpu.enqueue_indirect_dma source(%dma_start3A_164 : memref<1000000x64xf32, #tpu.memory_space<hbm>>) target(%dma_start3A_159 : memref<40x64xf32, #tpu.memory_space<vmem>>) offsets(%dma_start3A_161 : memref<40xi32, #tpu.memory_space<vmem>>) semaphore(%arg11 : memref<!tpu.dma_semaphore, #tpu.memory_space<semaphore_mem>>)
        %dma_start3A_165 = arith.constant 120 : i32
        %dma_start3A_166 = arith.constant 0 : i32
        %dma_start3A_167 = tpu.memref_slice %arg9[%dma_start3A_165, %dma_start3A_166] : memref<200x64xf32, #tpu.memory_space<vmem>> -> memref<40x64xf32, #tpu.memory_space<vmem>>
        %dma_start3A_168 = arith.constant 120 : i32
        %dma_start3A_169 = tpu.memref_slice %arg7[%dma_start3A_168] : memref<200xi32, #tpu.memory_space<vmem>> -> memref<40xi32, #tpu.memory_space<vmem>>
        %dma_start3A_170 = arith.constant 0 : i32
        %dma_start3A_171 = arith.constant 0 : i32
        %dma_start3A_172 = tpu.memref_slice %arg3[%dma_start3A_170, %dma_start3A_171] : memref<1000000x64xf32, #tpu.memory_space<hbm>> -> memref<1000000x64xf32, #tpu.memory_space<hbm>>
        tpu.enqueue_indirect_dma source(%dma_start3A_172 : memref<1000000x64xf32, #tpu.memory_space<hbm>>) target(%dma_start3A_167 : memref<40x64xf32, #tpu.memory_space<vmem>>) offsets(%dma_start3A_169 : memref<40xi32, #tpu.memory_space<vmem>>) semaphore(%arg11 : memref<!tpu.dma_semaphore, #tpu.memory_space<semaphore_mem>>)
        %dma_start3A_173 = arith.constant 160 : i32
        %dma_start3A_174 = arith.constant 0 : i32
        %dma_start3A_175 = tpu.memref_slice %arg9[%dma_start3A_173, %dma_start3A_174] : memref<200x64xf32, #tpu.memory_space<vmem>> -> memref<40x64xf32, #tpu.memory_space<vmem>>
        %dma_start3A_176 = arith.constant 160 : i32
        %dma_start3A_177 = tpu.memref_slice %arg7[%dma_start3A_176] : memref<200xi32, #tpu.memory_space<vmem>> -> memref<40xi32, #tpu.memory_space<vmem>>
        %dma_start3A_178 = arith.constant 0 : i32
        %dma_start3A_179 = arith.constant 0 : i32
        %dma_start3A_180 = tpu.memref_slice %arg3[%dma_start3A_178, %dma_start3A_179] : memref<1000000x64xf32, #tpu.memory_space<hbm>> -> memref<1000000x64xf32, #tpu.memory_space<hbm>>
        tpu.enqueue_indirect_dma source(%dma_start3A_180 : memref<1000000x64xf32, #tpu.memory_space<hbm>>) target(%dma_start3A_175 : memref<40x64xf32, #tpu.memory_space<vmem>>) offsets(%dma_start3A_177 : memref<40xi32, #tpu.memory_space<vmem>>) semaphore(%arg11 : memref<!tpu.dma_semaphore, #tpu.memory_space<semaphore_mem>>)
      } else {
      }
      %scan3A_124 = arith.constant 0 : i32
      %scan3A_125 = arith.constant 0 : i32
      %scan3A_126 = arith.constant 50 : i32
      %scan3A_127 = arith.addi %scan3A_125, %scan3A_126 : i32
      %scan3A_128 = arith.constant 1 : i32
      scf.for %scan3A_137 = %scan3A_125 to %scan3A_127 step %scan3A_128  : i32 {
        %mul3A_138 = arith.constant 4 : i32
        %mul3A_139 = arith.muli %scan3A_137, %mul3A_138 : i32
        %add3A_140 = arith.constant 0 : i32
        %add3A_141 = arith.addi %mul3A_139, %add3A_140 : i32
        %add3A_142 = arith.constant 0 : i32
        %add3A_143 = arith.addi %mul3A_139, %add3A_142 : i32
        %get3A = arith.index_cast %add3A_143 : i32 to index
        %get3A_144 = arith.constant 0 : index
        %get3A_145 = tpu.vector_load %arg6[%get3A, %get3A_144] {strides = array<i32>} : memref<200x64xf32, #tpu.memory_space<vmem>>, vector<1x16xf32>,
        %get3A_146 = vector.shape_cast %get3A_145 : vector<1x16xf32> to vector<16xf32>
        %swap3A = arith.index_cast %add3A_141 : i32 to index
        %swap3A_147 = arith.constant 0 : index
        %swap3A_148 = tpu.vector_load %arg10[%swap3A, %swap3A_147] {strides = array<i32>} : memref<200x64xf32, #tpu.memory_space<vmem>>, vector<1x16xf32>,
        %swap3A_149 = vector.shape_cast %swap3A_148 : vector<1x16xf32> to vector<16xf32>
        %swap3A_150 = vector.shape_cast %get3A_146 : vector<16xf32> to vector<1x16xf32>
        tpu.vector_store %arg10[%swap3A, %swap3A_147], %swap3A_150 {add = true, strides = array<i32>} : memref<200x64xf32, #tpu.memory_space<vmem>>, vector<1x16xf32>,
        %add3A_151 = arith.constant 0 : i32
        %add3A_152 = arith.addi %mul3A_139, %add3A_151 : i32
        %add3A_153 = arith.constant 0 : i32
        %add3A_154 = arith.addi %mul3A_139, %add3A_153 : i32
        %get3A_155 = arith.index_cast %add3A_154 : i32 to index
        %get3A_156 = arith.constant 16 : index
        %get3A_157 = tpu.vector_load %arg6[%get3A_155, %get3A_156] {strides = array<i32>} : memref<200x64xf32, #tpu.memory_space<vmem>>, vector<1x16xf32>,
        %get3A_158 = vector.shape_cast %get3A_157 : vector<1x16xf32> to vector<16xf32>
        %swap3A_159 = arith.index_cast %add3A_152 : i32 to index
        %swap3A_160 = arith.constant 16 : index
        %swap3A_161 = tpu.vector_load %arg10[%swap3A_159, %swap3A_160] {strides = array<i32>} : memref<200x64xf32, #tpu.memory_space<vmem>>, vector<1x16xf32>,
        %swap3A_162 = vector.shape_cast %swap3A_161 : vector<1x16xf32> to vector<16xf32>
        %swap3A_163 = vector.shape_cast %get3A_158 : vector<16xf32> to vector<1x16xf32>
        tpu.vector_store %arg10[%swap3A_159, %swap3A_160], %swap3A_163 {add = true, strides = array<i32>} : memref<200x64xf32, #tpu.memory_space<vmem>>, vector<1x16xf32>,
        %add3A_164 = arith.constant 0 : i32
        %add3A_165 = arith.addi %mul3A_139, %add3A_164 : i32
        %add3A_166 = arith.constant 0 : i32
        %add3A_167 = arith.addi %mul3A_139, %add3A_166 : i32
        %get3A_168 = arith.index_cast %add3A_167 : i32 to index
        %get3A_169 = arith.constant 32 : index
        %get3A_170 = tpu.vector_load %arg6[%get3A_168, %get3A_169] {strides = array<i32>} : memref<200x64xf32, #tpu.memory_space<vmem>>, vector<1x16xf32>,
        %get3A_171 = vector.shape_cast %get3A_170 : vector<1x16xf32> to vector<16xf32>
        %swap3A_172 = arith.index_cast %add3A_165 : i32 to index
        %swap3A_173 = arith.constant 32 : index
        %swap3A_174 = tpu.vector_load %arg10[%swap3A_172, %swap3A_173] {strides = array<i32>} : memref<200x64xf32, #tpu.memory_space<vmem>>, vector<1x16xf32>,
        %swap3A_175 = vector.shape_cast %swap3A_174 : vector<1x16xf32> to vector<16xf32>
        %swap3A_176 = vector.shape_cast %get3A_171 : vector<16xf32> to vector<1x16xf32>
        tpu.vector_store %arg10[%swap3A_172, %swap3A_173], %swap3A_176 {add = true, strides = array<i32>} : memref<200x64xf32, #tpu.memory_space<vmem>>, vector<1x16xf32>,
        %add3A_177 = arith.constant 0 : i32
        %add3A_178 = arith.addi %mul3A_139, %add3A_177 : i32
        %add3A_179 = arith.constant 0 : i32
        %add3A_180 = arith.addi %mul3A_139, %add3A_179 : i32
        %get3A_181 = arith.index_cast %add3A_180 : i32 to index
        %get3A_182 = arith.constant 48 : index
        %get3A_183 = tpu.vector_load %arg6[%get3A_181, %get3A_182] {strides = array<i32>} : memref<200x64xf32, #tpu.memory_space<vmem>>, vector<1x16xf32>,
        %get3A_184 = vector.shape_cast %get3A_183 : vector<1x16xf32> to vector<16xf32>
        %swap3A_185 = arith.index_cast %add3A_178 : i32 to index
        %swap3A_186 = arith.constant 48 : index
        %swap3A_187 = tpu.vector_load %arg10[%swap3A_185, %swap3A_186] {strides = array<i32>} : memref<200x64xf32, #tpu.memory_space<vmem>>, vector<1x16xf32>,
        %swap3A_188 = vector.shape_cast %swap3A_187 : vector<1x16xf32> to vector<16xf32>
        %swap3A_189 = vector.shape_cast %get3A_184 : vector<16xf32> to vector<1x16xf32>
        tpu.vector_store %arg10[%swap3A_185, %swap3A_186], %swap3A_189 {add = true, strides = array<i32>} : memref<200x64xf32, #tpu.memory_space<vmem>>, vector<1x16xf32>,
        %add3A_190 = arith.constant 1 : i32
        %add3A_191 = arith.addi %mul3A_139, %add3A_190 : i32
        %add3A_192 = arith.constant 1 : i32
        %add3A_193 = arith.addi %mul3A_139, %add3A_192 : i32
        %get3A_194 = arith.index_cast %add3A_193 : i32 to index
        %get3A_195 = arith.constant 0 : index
        %get3A_196 = tpu.vector_load %arg6[%get3A_194, %get3A_195] {strides = array<i32>} : memref<200x64xf32, #tpu.memory_space<vmem>>, vector<1x16xf32>,
        %get3A_197 = vector.shape_cast %get3A_196 : vector<1x16xf32> to vector<16xf32>
        %swap3A_198 = arith.index_cast %add3A_191 : i32 to index
        %swap3A_199 = arith.constant 0 : index
        %swap3A_200 = tpu.vector_load %arg10[%swap3A_198, %swap3A_199] {strides = array<i32>} : memref<200x64xf32, #tpu.memory_space<vmem>>, vector<1x16xf32>,
        %swap3A_201 = vector.shape_cast %swap3A_200 : vector<1x16xf32> to vector<16xf32>
        %swap3A_202 = vector.shape_cast %get3A_197 : vector<16xf32> to vector<1x16xf32>
        tpu.vector_store %arg10[%swap3A_198, %swap3A_199], %swap3A_202 {add = true, strides = array<i32>} : memref<200x64xf32, #tpu.memory_space<vmem>>, vector<1x16xf32>,
        %add3A_203 = arith.constant 1 : i32
        %add3A_204 = arith.addi %mul3A_139, %add3A_203 : i32
        %add3A_205 = arith.constant 1 : i32
        %add3A_206 = arith.addi %mul3A_139, %add3A_205 : i32
        %get3A_207 = arith.index_cast %add3A_206 : i32 to index
        %get3A_208 = arith.constant 16 : index
        %get3A_209 = tpu.vector_load %arg6[%get3A_207, %get3A_208] {strides = array<i32>} : memref<200x64xf32, #tpu.memory_space<vmem>>, vector<1x16xf32>,
        %get3A_210 = vector.shape_cast %get3A_209 : vector<1x16xf32> to vector<16xf32>
        %swap3A_211 = arith.index_cast %add3A_204 : i32 to index
        %swap3A_212 = arith.constant 16 : index
        %swap3A_213 = tpu.vector_load %arg10[%swap3A_211, %swap3A_212] {strides = array<i32>} : memref<200x64xf32, #tpu.memory_space<vmem>>, vector<1x16xf32>,
        %swap3A_214 = vector.shape_cast %swap3A_213 : vector<1x16xf32> to vector<16xf32>
        %swap3A_215 = vector.shape_cast %get3A_210 : vector<16xf32> to vector<1x16xf32>
        tpu.vector_store %arg10[%swap3A_211, %swap3A_212], %swap3A_215 {add = true, strides = array<i32>} : memref<200x64xf32, #tpu.memory_space<vmem>>, vector<1x16xf32>,
        %add3A_216 = arith.constant 1 : i32
        %add3A_217 = arith.addi %mul3A_139, %add3A_216 : i32
        %add3A_218 = arith.constant 1 : i32
        %add3A_219 = arith.addi %mul3A_139, %add3A_218 : i32
        %get3A_220 = arith.index_cast %add3A_219 : i32 to index
        %get3A_221 = arith.constant 32 : index
        %get3A_222 = tpu.vector_load %arg6[%get3A_220, %get3A_221] {strides = array<i32>} : memref<200x64xf32, #tpu.memory_space<vmem>>, vector<1x16xf32>,
        %get3A_223 = vector.shape_cast %get3A_222 : vector<1x16xf32> to vector<16xf32>
        %swap3A_224 = arith.index_cast %add3A_217 : i32 to index
        %swap3A_225 = arith.constant 32 : index
        %swap3A_226 = tpu.vector_load %arg10[%swap3A_224, %swap3A_225] {strides = array<i32>} : memref<200x64xf32, #tpu.memory_space<vmem>>, vector<1x16xf32>,
        %swap3A_227 = vector.shape_cast %swap3A_226 : vector<1x16xf32> to vector<16xf32>
        %swap3A_228 = vector.shape_cast %get3A_223 : vector<16xf32> to vector<1x16xf32>
        tpu.vector_store %arg10[%swap3A_224, %swap3A_225], %swap3A_228 {add = true, strides = array<i32>} : memref<200x64xf32, #tpu.memory_space<vmem>>, vector<1x16xf32>,
        %add3A_229 = arith.constant 1 : i32
        %add3A_230 = arith.addi %mul3A_139, %add3A_229 : i32
        %add3A_231 = arith.constant 1 : i32
        %add3A_232 = arith.addi %mul3A_139, %add3A_231 : i32
        %get3A_233 = arith.index_cast %add3A_232 : i32 to index
        %get3A_234 = arith.constant 48 : index
        %get3A_235 = tpu.vector_load %arg6[%get3A_233, %get3A_234] {strides = array<i32>} : memref<200x64xf32, #tpu.memory_space<vmem>>, vector<1x16xf32>,
        %get3A_236 = vector.shape_cast %get3A_235 : vector<1x16xf32> to vector<16xf32>
        %swap3A_237 = arith.index_cast %add3A_230 : i32 to index
        %swap3A_238 = arith.constant 48 : index
        %swap3A_239 = tpu.vector_load %arg10[%swap3A_237, %swap3A_238] {strides = array<i32>} : memref<200x64xf32, #tpu.memory_space<vmem>>, vector<1x16xf32>,
        %swap3A_240 = vector.shape_cast %swap3A_239 : vector<1x16xf32> to vector<16xf32>
        %swap3A_241 = vector.shape_cast %get3A_236 : vector<16xf32> to vector<1x16xf32>
        tpu.vector_store %arg10[%swap3A_237, %swap3A_238], %swap3A_241 {add = true, strides = array<i32>} : memref<200x64xf32, #tpu.memory_space<vmem>>, vector<1x16xf32>,
        %add3A_242 = arith.constant 2 : i32
        %add3A_243 = arith.addi %mul3A_139, %add3A_242 : i32
        %add3A_244 = arith.constant 2 : i32
        %add3A_245 = arith.addi %mul3A_139, %add3A_244 : i32
        %get3A_246 = arith.index_cast %add3A_245 : i32 to index
        %get3A_247 = arith.constant 0 : index
        %get3A_248 = tpu.vector_load %arg6[%get3A_246, %get3A_247] {strides = array<i32>} : memref<200x64xf32, #tpu.memory_space<vmem>>, vector<1x16xf32>,
        %get3A_249 = vector.shape_cast %get3A_248 : vector<1x16xf32> to vector<16xf32>
        %swap3A_250 = arith.index_cast %add3A_243 : i32 to index
        %swap3A_251 = arith.constant 0 : index
        %swap3A_252 = tpu.vector_load %arg10[%swap3A_250, %swap3A_251] {strides = array<i32>} : memref<200x64xf32, #tpu.memory_space<vmem>>, vector<1x16xf32>,
        %swap3A_253 = vector.shape_cast %swap3A_252 : vector<1x16xf32> to vector<16xf32>
        %swap3A_254 = vector.shape_cast %get3A_249 : vector<16xf32> to vector<1x16xf32>
        tpu.vector_store %arg10[%swap3A_250, %swap3A_251], %swap3A_254 {add = true, strides = array<i32>} : memref<200x64xf32, #tpu.memory_space<vmem>>, vector<1x16xf32>,
        %add3A_255 = arith.constant 2 : i32
        %add3A_256 = arith.addi %mul3A_139, %add3A_255 : i32
        %add3A_257 = arith.constant 2 : i32
        %add3A_258 = arith.addi %mul3A_139, %add3A_257 : i32
        %get3A_259 = arith.index_cast %add3A_258 : i32 to index
        %get3A_260 = arith.constant 16 : index
        %get3A_261 = tpu.vector_load %arg6[%get3A_259, %get3A_260] {strides = array<i32>} : memref<200x64xf32, #tpu.memory_space<vmem>>, vector<1x16xf32>,
        %get3A_262 = vector.shape_cast %get3A_261 : vector<1x16xf32> to vector<16xf32>
        %swap3A_263 = arith.index_cast %add3A_256 : i32 to index
        %swap3A_264 = arith.constant 16 : index
        %swap3A_265 = tpu.vector_load %arg10[%swap3A_263, %swap3A_264] {strides = array<i32>} : memref<200x64xf32, #tpu.memory_space<vmem>>, vector<1x16xf32>,
        %swap3A_266 = vector.shape_cast %swap3A_265 : vector<1x16xf32> to vector<16xf32>
        %swap3A_267 = vector.shape_cast %get3A_262 : vector<16xf32> to vector<1x16xf32>
        tpu.vector_store %arg10[%swap3A_263, %swap3A_264], %swap3A_267 {add = true, strides = array<i32>} : memref<200x64xf32, #tpu.memory_space<vmem>>, vector<1x16xf32>,
        %add3A_268 = arith.constant 2 : i32
        %add3A_269 = arith.addi %mul3A_139, %add3A_268 : i32
        %add3A_270 = arith.constant 2 : i32
        %add3A_271 = arith.addi %mul3A_139, %add3A_270 : i32
        %get3A_272 = arith.index_cast %add3A_271 : i32 to index
        %get3A_273 = arith.constant 32 : index
        %get3A_274 = tpu.vector_load %arg6[%get3A_272, %get3A_273] {strides = array<i32>} : memref<200x64xf32, #tpu.memory_space<vmem>>, vector<1x16xf32>,
        %get3A_275 = vector.shape_cast %get3A_274 : vector<1x16xf32> to vector<16xf32>
        %swap3A_276 = arith.index_cast %add3A_269 : i32 to index
        %swap3A_277 = arith.constant 32 : index
        %swap3A_278 = tpu.vector_load %arg10[%swap3A_276, %swap3A_277] {strides = array<i32>} : memref<200x64xf32, #tpu.memory_space<vmem>>, vector<1x16xf32>,
        %swap3A_279 = vector.shape_cast %swap3A_278 : vector<1x16xf32> to vector<16xf32>
        %swap3A_280 = vector.shape_cast %get3A_275 : vector<16xf32> to vector<1x16xf32>
        tpu.vector_store %arg10[%swap3A_276, %swap3A_277], %swap3A_280 {add = true, strides = array<i32>} : memref<200x64xf32, #tpu.memory_space<vmem>>, vector<1x16xf32>,
        %add3A_281 = arith.constant 2 : i32
        %add3A_282 = arith.addi %mul3A_139, %add3A_281 : i32
        %add3A_283 = arith.constant 2 : i32
        %add3A_284 = arith.addi %mul3A_139, %add3A_283 : i32
        %get3A_285 = arith.index_cast %add3A_284 : i32 to index
        %get3A_286 = arith.constant 48 : index
        %get3A_287 = tpu.vector_load %arg6[%get3A_285, %get3A_286] {strides = array<i32>} : memref<200x64xf32, #tpu.memory_space<vmem>>, vector<1x16xf32>,
        %get3A_288 = vector.shape_cast %get3A_287 : vector<1x16xf32> to vector<16xf32>
        %swap3A_289 = arith.index_cast %add3A_282 : i32 to index
        %swap3A_290 = arith.constant 48 : index
        %swap3A_291 = tpu.vector_load %arg10[%swap3A_289, %swap3A_290] {strides = array<i32>} : memref<200x64xf32, #tpu.memory_space<vmem>>, vector<1x16xf32>,
        %swap3A_292 = vector.shape_cast %swap3A_291 : vector<1x16xf32> to vector<16xf32>
        %swap3A_293 = vector.shape_cast %get3A_288 : vector<16xf32> to vector<1x16xf32>
        tpu.vector_store %arg10[%swap3A_289, %swap3A_290], %swap3A_293 {add = true, strides = array<i32>} : memref<200x64xf32, #tpu.memory_space<vmem>>, vector<1x16xf32>,
        %add3A_294 = arith.constant 3 : i32
        %add3A_295 = arith.addi %mul3A_139, %add3A_294 : i32
        %add3A_296 = arith.constant 3 : i32
        %add3A_297 = arith.addi %mul3A_139, %add3A_296 : i32
        %get3A_298 = arith.index_cast %add3A_297 : i32 to index
        %get3A_299 = arith.constant 0 : index
        %get3A_300 = tpu.vector_load %arg6[%get3A_298, %get3A_299] {strides = array<i32>} : memref<200x64xf32, #tpu.memory_space<vmem>>, vector<1x16xf32>,
        %get3A_301 = vector.shape_cast %get3A_300 : vector<1x16xf32> to vector<16xf32>
        %swap3A_302 = arith.index_cast %add3A_295 : i32 to index
        %swap3A_303 = arith.constant 0 : index
        %swap3A_304 = tpu.vector_load %arg10[%swap3A_302, %swap3A_303] {strides = array<i32>} : memref<200x64xf32, #tpu.memory_space<vmem>>, vector<1x16xf32>,
        %swap3A_305 = vector.shape_cast %swap3A_304 : vector<1x16xf32> to vector<16xf32>
        %swap3A_306 = vector.shape_cast %get3A_301 : vector<16xf32> to vector<1x16xf32>
        tpu.vector_store %arg10[%swap3A_302, %swap3A_303], %swap3A_306 {add = true, strides = array<i32>} : memref<200x64xf32, #tpu.memory_space<vmem>>, vector<1x16xf32>,
        %add3A_307 = arith.constant 3 : i32
        %add3A_308 = arith.addi %mul3A_139, %add3A_307 : i32
        %add3A_309 = arith.constant 3 : i32
        %add3A_310 = arith.addi %mul3A_139, %add3A_309 : i32
        %get3A_311 = arith.index_cast %add3A_310 : i32 to index
        %get3A_312 = arith.constant 16 : index
        %get3A_313 = tpu.vector_load %arg6[%get3A_311, %get3A_312] {strides = array<i32>} : memref<200x64xf32, #tpu.memory_space<vmem>>, vector<1x16xf32>,
        %get3A_314 = vector.shape_cast %get3A_313 : vector<1x16xf32> to vector<16xf32>
        %swap3A_315 = arith.index_cast %add3A_308 : i32 to index
        %swap3A_316 = arith.constant 16 : index
        %swap3A_317 = tpu.vector_load %arg10[%swap3A_315, %swap3A_316] {strides = array<i32>} : memref<200x64xf32, #tpu.memory_space<vmem>>, vector<1x16xf32>,
        %swap3A_318 = vector.shape_cast %swap3A_317 : vector<1x16xf32> to vector<16xf32>
        %swap3A_319 = vector.shape_cast %get3A_314 : vector<16xf32> to vector<1x16xf32>
        tpu.vector_store %arg10[%swap3A_315, %swap3A_316], %swap3A_319 {add = true, strides = array<i32>} : memref<200x64xf32, #tpu.memory_space<vmem>>, vector<1x16xf32>,
        %add3A_320 = arith.constant 3 : i32
        %add3A_321 = arith.addi %mul3A_139, %add3A_320 : i32
        %add3A_322 = arith.constant 3 : i32
        %add3A_323 = arith.addi %mul3A_139, %add3A_322 : i32
        %get3A_324 = arith.index_cast %add3A_323 : i32 to index
        %get3A_325 = arith.constant 32 : index
        %get3A_326 = tpu.vector_load %arg6[%get3A_324, %get3A_325] {strides = array<i32>} : memref<200x64xf32, #tpu.memory_space<vmem>>, vector<1x16xf32>,
        %get3A_327 = vector.shape_cast %get3A_326 : vector<1x16xf32> to vector<16xf32>
        %swap3A_328 = arith.index_cast %add3A_321 : i32 to index
        %swap3A_329 = arith.constant 32 : index
        %swap3A_330 = tpu.vector_load %arg10[%swap3A_328, %swap3A_329] {strides = array<i32>} : memref<200x64xf32, #tpu.memory_space<vmem>>, vector<1x16xf32>,
        %swap3A_331 = vector.shape_cast %swap3A_330 : vector<1x16xf32> to vector<16xf32>
        %swap3A_332 = vector.shape_cast %get3A_327 : vector<16xf32> to vector<1x16xf32>
        tpu.vector_store %arg10[%swap3A_328, %swap3A_329], %swap3A_332 {add = true, strides = array<i32>} : memref<200x64xf32, #tpu.memory_space<vmem>>, vector<1x16xf32>,
        %add3A_333 = arith.constant 3 : i32
        %add3A_334 = arith.addi %mul3A_139, %add3A_333 : i32
        %add3A_335 = arith.constant 3 : i32
        %add3A_336 = arith.addi %mul3A_139, %add3A_335 : i32
        %get3A_337 = arith.index_cast %add3A_336 : i32 to index
        %get3A_338 = arith.constant 48 : index
        %get3A_339 = tpu.vector_load %arg6[%get3A_337, %get3A_338] {strides = array<i32>} : memref<200x64xf32, #tpu.memory_space<vmem>>, vector<1x16xf32>,
        %get3A_340 = vector.shape_cast %get3A_339 : vector<1x16xf32> to vector<16xf32>
        %swap3A_341 = arith.index_cast %add3A_334 : i32 to index
        %swap3A_342 = arith.constant 48 : index
        %swap3A_343 = tpu.vector_load %arg10[%swap3A_341, %swap3A_342] {strides = array<i32>} : memref<200x64xf32, #tpu.memory_space<vmem>>, vector<1x16xf32>,
        %swap3A_344 = vector.shape_cast %swap3A_343 : vector<1x16xf32> to vector<16xf32>
        %swap3A_345 = vector.shape_cast %get3A_340 : vector<16xf32> to vector<1x16xf32>
        tpu.vector_store %arg10[%swap3A_341, %swap3A_342], %swap3A_345 {add = true, strides = array<i32>} : memref<200x64xf32, #tpu.memory_space<vmem>>, vector<1x16xf32>,
      }
      %scan3A_129 = arith.constant 50 : i32
      %mul3A_130 = arith.constant 200 : i32
      %mul3A_131 = arith.muli %add3A_98, %mul3A_130 : i32
      %add3A_132 = arith.addi %mul3A_2, %mul3A_131 : i32
      %dma_start3A_133 = arith.constant 0 : i32
      %dma_start3A_134 = tpu.memref_slice %arg5[%add3A_132, %dma_start3A_133] : memref<819200x64xf32, #tpu.memory_space<hbm>> -> memref<200x64xf32, #tpu.memory_space<hbm>>
      %dma_start3A_135 = arith.constant 0 : i32
      %dma_start3A_136 = tpu.memref_slice %arg5[%add3A_132, %dma_start3A_135] : memref<819200x64xf32, #tpu.memory_space<hbm>> -> memref<200x64xf32, #tpu.memory_space<hbm>>
      tpu.enqueue_dma source(%arg10 : memref<200x64xf32, #tpu.memory_space<vmem>>) target(%dma_start3A_136 : memref<200x64xf32, #tpu.memory_space<hbm>>) target_semaphore(%arg16 : memref<!tpu.dma_semaphore, #tpu.memory_space<semaphore_mem>>)
    }
    %scan3A_50 = arith.constant 64 : i32
    %add3A_51 = arith.constant 0 : i32
    %add3A_52 = arith.addi %mul3A_2, %add3A_51 : i32
    %dma_wait3A = arith.constant 0 : i32
    %dma_wait3A_53 = tpu.memref_slice %arg5[%add3A_52, %dma_wait3A] : memref<819200x64xf32, #tpu.memory_space<hbm>> -> memref<200x64xf32, #tpu.memory_space<hbm>>
    %dma_wait3A_54 = arith.constant 0 : i32
    %dma_wait3A_55 = tpu.memref_slice %arg5[%add3A_52, %dma_wait3A_54] : memref<819200x64xf32, #tpu.memory_space<hbm>> -> memref<200x64xf32, #tpu.memory_space<hbm>>
    tpu.wait_dma2 semaphore(%arg16 : memref<!tpu.dma_semaphore, #tpu.memory_space<semaphore_mem>>) src(%arg10 : memref<200x64xf32, #tpu.memory_space<vmem>>) dst(%dma_wait3A_55 : memref<200x64xf32, #tpu.memory_space<hbm>>)
    return
  }
}

</mosaic_0001>

<sc_bundles>
// kernel: _sc_embed.3.cloned.1.call-start
scs
__scs_entry_jumppad:
0x0: {  	(pc) =	sbr.rel $0x88, $3  }
0x1: {  	(tag) =	ssettag $0x0;
	lr =	simm.s32 $0x1  }
0x2: {  	[smem:$0x3F9E] =	sst lr;
	_ =	strace $0xD0000000  }
0x3: {  	_ = 	snop  }
0x4: {  	_ = 	snop  }
0x5: {  	_ = 	snop  }
0x6: {  	_ = 	snop  }
0x7: {  	_ = 	snop  }
__scs_overlays_trampoline_lowered:
0x8: {  	[smem:$0x3FAD] =	sst s0  }
0x9: {  	[smem:$0x3FAE] =	sst s1  }
0xa: {  	[smem:$0x3FAF] =	sst s2  }
0xb: {  	[smem:$0x3FB0] =	sst s3  }
0xc: {  	[smem:$0x3FB1] =	sst s4  }
0xd: {  	[smem:$0x3FB2] =	sst s5  }
0xe: {  	[smem:$0x3FB3] =	sst s6  }
0xf: {  	[smem:$0x3FB4] =	sst s7  }
0x10: {  	[smem:$0x3FB5] =	sst s8  }
0x11: {  	[smem:$0x3FB6] =	sst s9;
	s0 =	simm.s32 @!p0 $0x0  }
0x12: {  	s1 =	sld [smem:$0x3F9C];
	s0 =	simm.s32 @p0 $0x1  }
0x13: {  	[smem:$0x3FB7] =	sst s0;
	s0 =	simm.s32 @!p1 $0x0  }
0x14: {  	s2 =	sld [smem:$0x3F9B];
	s0 =	simm.s32 @p1 $0x1  }
0x15: {  	[smem:$0x3FB8] =	sst s0;
	s0 =	simm.s32 @!p2 $0x0  }
0x16: {  	s3 =	sld [smem:$0x3FDB];
	s0 =	simm.s32 @p2 $0x1  }
0x17: {  	s4 =	simm.s32 $0x1BF5;
	[smem:$0x3FBA] =	sst s0  }
0x18: {  	s0 =	sld [smem:$0x3F9D];
	_ =	swait.ge [sflag:s4], $0x0  }
0x19: {  	s7 =	sld [smem:$0x3F9E]  }
0x1a: {  	s8 =	sadd.s32 $0xFFFFE003, lr  }
0x1b: {  	s9 =	sadd.s32 $0xFFFFFEF7, lr;
	s5 =	simm.s32 $0xFFFFFFFF;
	p2 =	slt.u32 s8, $0xFFFFF086  }
0x1c: {  	p1 =	slt.u32 s9, $0xF7A;
	s5 =	simm.s32 @!p2 $0x0  }
0x1d: {  	s5 =	simm.s32 @p1 $0x1;
	p0 =	seq.s32 s7, s2  }
0x1e: {  	s7 =	smul.u32 @!p0 $0xF7A, s2;
	p2 =	seq.s32 @!p0 s5, $0x0  }
0x1f: {  	s9 =	smul.u32 $0xF7A, s1;
	s8 =	simm.s32 @!p0 $0x1BF5;
	p2 =	por !p2, p0  }
0x20: {  	[sflag:s8] =	ssyncset.s32 @!p0 $0xFFFFF086;
	s6 =	sadd.s32 @!p0 s3, s7;
	s7 =	simm.s32 @!p0 $0x108  }
0x21: {  	s3 =	sadd.s32 s3, s9;
	s6 =	sadd.s32 @!p0 $0x88, s6;
	s7 =	simm.s32 @p2 $0x1082  }
0x22: {  	[simem:s7], [sflag:s8] =	dma.local @!p0 [hbm:s6], $0xF7A  }
0x23: {  	s9 =	sor.u32 $0xD0000000, s2;
	s6 =	simm.s32 $0x108;
	_ =	swait.ge @!p0 [sflag:s8], $0x0  }
0x24: {  	s3 =	sadd.s32 $0x88, s3;
	s6 =	simm.s32 @!p1 $0x1082;
	[sflag:s4] =	ssyncset.s32 $0xFFFFF086  }
0x25: {  	[simem:s6], [sflag:s4] =	dma.local [hbm:s3], $0xF7A  }
0x26: {  	[smem:$0x3F9E] =	sst s1;
	(tag) =	ssettag s2;
	_ =	strace s9  }
0x27: {  	s1 =	sld [smem:$0x3FAE]  }
0x28: {  	s2 =	sld [smem:$0x3FAF]  }
0x29: {  	s4 =	sld [smem:$0x3FB1]  }
0x2a: {  	p0 =	seq.s32 s5, $0x0;
	s5 =	sld [smem:$0x3FB2]  }
0x2b: {  	s6 =	sld [smem:$0x3FB3]  }
0x2c: {  	s7 =	sld [smem:$0x3FB4]  }
0x2d: {  	s3 =	simm.s32 $0x108;
	s8 =	sld [smem:$0x3FB5]  }
0x2e: {  	s3 =	simm.s32 @!p0 $0x1082;
	s9 =	sld [smem:$0x3FB6]  }
0x2f: {  	lr =	sadd.s32 s0, s3;
	s0 =	sld [smem:$0x3FAD]  }
0x30: {  	s3 =	sld [smem:$0x3FB0]  }
0x31: {  	[smem:$0x3FB9] =	sst s10  }
0x32: {  	s10 =	sld [smem:$0x3FB7];
	_ =	sdelay $0x3  }
0x33: {  	p0 =	seq.s32 s10, $0x1;
	s10 =	sld [smem:$0x3FB9];
	_ =	sdelay $0x3  }
0x34: {  	[smem:$0x3FB9] =	sst s10  }
0x35: {  	s10 =	sld [smem:$0x3FB8];
	_ =	sdelay $0x3  }
0x36: {  	p1 =	seq.s32 s10, $0x1;
	s10 =	sld [smem:$0x3FB9];
	_ =	sdelay $0x3  }
0x37: {  	[smem:$0x3FB9] =	sst s10  }
0x38: {  	s10 =	sld [smem:$0x3FBA]  }
0x39: {  	_ = 	snop;
	(pc) =	sbr.ind lr, $3  }
0x3a: {  	_ = 	snop  }
0x3b: {  	_ = 	snop  }
0x3c: {  	p2 =	seq.s32 s10, $0x1;
	s10 =	sld [smem:$0x3FB9]  }
0x3d: {  	_ =	shalt  }
0x3e: {  	_ =	shalt  }
0x3f: {  	_ =	shalt  }
0x40: {  	_ =	shalt  }
0x41: {  	_ =	shalt  }
0x42: {  	_ =	shalt  }
0x43: {  	_ =	shalt  }
0x44: {  	_ =	shalt  }
0x45: {  	_ =	shalt  }
0x46: {  	_ =	shalt  }
0x47: {  	_ =	shalt  }
0x48: {  	_ =	shalt  }
0x49: {  	_ =	shalt  }
0x4a: {  	_ =	shalt  }
0x4b: {  	_ =	shalt  }
0x4c: {  	_ =	shalt  }
0x4d: {  	_ =	shalt  }
0x4e: {  	_ =	shalt  }
0x4f: {  	_ =	shalt  }
0x50: {  	_ =	shalt  }
0x51: {  	_ =	shalt  }
0x52: {  	_ =	shalt  }
0x53: {  	_ =	shalt  }
0x54: {  	_ =	shalt  }
0x55: {  	_ =	shalt  }
0x56: {  	_ =	shalt  }
0x57: {  	_ =	shalt  }
0x58: {  	_ =	shalt  }
0x59: {  	_ =	shalt  }
0x5a: {  	_ =	shalt  }
0x5b: {  	_ =	shalt  }
0x5c: {  	_ =	shalt  }
0x5d: {  	_ =	shalt  }
0x5e: {  	_ =	shalt  }
0x5f: {  	_ =	shalt  }
0x60: {  	_ =	shalt  }
0x61: {  	_ =	shalt  }
0x62: {  	_ =	shalt  }
0x63: {  	_ =	shalt  }
0x64: {  	_ =	shalt  }
0x65: {  	_ =	shalt  }
0x66: {  	_ =	shalt  }
0x67: {  	_ =	shalt  }
0x68: {  	_ =	shalt  }
0x69: {  	_ =	shalt  }
0x6a: {  	_ =	shalt  }
0x6b: {  	_ =	shalt  }
0x6c: {  	_ =	shalt  }
0x6d: {  	_ =	shalt  }
0x6e: {  	_ =	shalt  }
0x6f: {  	_ =	shalt  }
0x70: {  	_ =	shalt  }
0x71: {  	_ =	shalt  }
0x72: {  	_ =	shalt  }
0x73: {  	_ =	shalt  }
0x74: {  	_ =	shalt  }
0x75: {  	_ =	shalt  }
0x76: {  	_ =	shalt  }
0x77: {  	_ =	shalt  }
0x78: {  	_ =	shalt  }
0x79: {  	_ =	shalt  }
0x7a: {  	_ =	shalt  }
0x7b: {  	_ =	shalt  }
0x7c: {  	_ =	shalt  }
0x7d: {  	_ =	shalt  }
0x7e: {  	_ =	shalt  }
0x7f: {  	_ =	shalt  }
0x80: {  	_ =	shalt  }
0x81: {  	_ =	shalt  }
0x82: {  	_ =	shalt  }
0x83: {  	_ =	shalt  }
0x84: {  	_ =	shalt  }
0x85: {  	_ =	shalt  }
0x86: {  	_ =	shalt  }
0x87: {  	_ =	shalt  }
.Lfunc_end0:
.L_simem_size_0:
called_computation.1_lowered:
.L_overlay_start_0:
0x88: {  	s2 =	sld [smem:$0x3FD9]  }
0x89: {  	s3 =	sld [smem:$0x3FFE];
	_ =	sdelay $0x1  }
0x8a: {  	s1 =	srdreg.scid  }
0x8b: {  	s0 =	sand.u32 $0x1, s1  }
0x8c: {  	s17 =	sshll.u32 s0, $0xA;
	s2 =	sadd.s32 s3, s2  }
0x8d: {  	s2 =	sadd.s32 s2, s17  }
0x8e: {  	[smem:$0x3FC5] =	sst s2  }
0x8f: {  	_ = 	snop  }
0x90: {  	s2 =	sld [smem:$0x3FC9]  }
0x91: {  	s18 =	sld [smem:$0x3FD0];
	(tm) =	ssettm $0x1  }
0x92: {  	s4 =	sld [smem:$0x3FFB];
	_ =	sdelay $0x3  }
0x93: {  	_ =	strace s4  }
0x94: {  	s4 =	sld [smem:$0x3FFC];
	_ =	sdelay $0x3  }
0x95: {  	_ =	strace s4  }
0x96: {  	s4 =	sld [smem:$0x3FFD];
	_ =	sdelay $0x3  }
0x97: {  	_ =	strace s4  }
0x98: {  	_ =	strace $0x8FFFFFFF  }
0x99: {  	s19 =	sld [smem:$0x3FDB];
	_ =	sdelay $0x1  }
0x9a: {  	s5 =	simm.s32 $_scs_section_size  }
0x9b: {  	s6 =	simm.s32 $_size__tile_overlayer_lowered;
	s7 =	simm.s32 $_tile_overlayer_lowered  }
0x9c: {  	s22 =	simm.s32 $0x1BFF;
	s21 =	sshll.u32 s7, $0x1;
	s4 =	sadd.s32 s5, s19  }
0x9d: {  	s8 =	simm.s32 $0x0;
	s20 =	sshll.u32 s6, $0x1;
	s6 =	sadd.s32 s21, s4  }
0x9e: {  	[timem:s8], [sflag:s22] =	dma.local [hbm:s6], s20  }
0x9f: {  	_ =	swait.ge [sflag:s22], s20  }
0xa0: {  	s5 =	ssub.s32 $0x0, s20;
	[sflag:s22] =	ssyncset.done $0x0  }
0xa1: {  	[sflag:s22] =	ssyncadd.s32 s5;
	_ =	sdelay $0x1  }
0xa2: {  	s23 =	simm.s32 $0x1B8B  }
0xa3: {  	_ =	swait.ge [sflag:s23], $0x1  }
0xa4: {  	[sflag:s23] =	ssyncset.done $0x0  }
0xa5: {  	s25 =	simm.s32 $0x1B8E;
	s24 =	sld [smem:$0x3FFE];
	[sflag:s23] =	ssyncadd.s32 $0xFFFFFFFF  }
0xa6: {  	s26 =	simm.s32 $execute0_lowered;
	[smem:$0x3FD2] =	sst s25  }
0xa7: {  	s6 =	sshll.u32 s26, $0x1;
	_ =	strace $0x80000046;
	[dreg:$0x1] =	wrdreg $0xFFFFFFFF  }
0xa8: {  	s28 =	simm.s32 $_size_execute0_lowered;
	s4 =	sadd.s32 s4, s6;
	[dreg:$0x0] =	wrdreg $0x0  }
0xa9: {  	s6 =	sshll.u32 s28, $0x1;
	[dreg:$0x2] =	wrdreg s4  }
0xaa: {  	[dreg:$0x3] =	wrdreg s6  }
0xab: {  	[dreg:$0x4] =	wrdreg $0xC0  }
0xac: {  	_ =	task [dreg:s8], $0x5FFFF  }
0xad: {  	[dreg:$0x1] =	wrdreg $0xFFFFFFFF  }
0xae: {  	[dreg:$0x0] =	wrdreg $0x60  }
0xaf: {  	[dreg:$0x2] =	wrdreg s2  }
0xb0: {  	[dreg:$0x3] =	wrdreg s24  }
0xb1: {  	[dreg:$0x4] =	wrdreg s18  }
0xb2: {  	[dreg:$0x5] =	wrdreg $0x9  }
0xb3: {  	_ =	task.clear_ibuf [dreg:s8], $0x6FFFF;
	_ =	strace $0x90000046  }
0xb4: {  	s29 =	simm.s32 $0x9;
	_ =	strace $0x80000048  }
0xb5: {  	_ =	swait.ge [sflag:s29], $0x1  }
0xb6: {  	[sflag:s29] =	ssyncadd.s32 $0xFFFFFFFF  }
0xb7: {  	_ =	strace $0x90000048  }
0xb8: {  	_ =	sfence  }
0xb9: {  	s30 =	sld [smem:$0x0];
	_ =	sdelay $0x2  }
0xba: {  	s31 =	sshll.u32 s1, $0xD;
	s1 =	sshrl.u32 s1, $0x2  }
0xbb: {  	s3 =	sand.u32 $0x4000, s31;
	s1 =	sadd.s32 s1, s30  }
0xbc: {  	s0 =	sor.u32 s3, s0;
	s1 =	sshll.u32 s1, $0x11  }
0xbd: {  	s0 =	sor.u32 s1, s0  }
0xbe: {  	s0 =	sadd.s32 $0x8F2B, s0  }
0xbf: {  	[sflag:s0] =	ssyncadd.remote.s32 $0x1  }
0xc0: {  	_ =	sfence.sel $0xFFFF  }
0xc1: {  	[dreg:$0x0] =	wrdreg $0xFFFFFFFF;
	(pc) =	sbr.abs _section_cstart, $3  }
0xc2: {  	[dreg:$0x1] =	wrdreg $0xFFFFFFFF  }
0xc3: {  	_ =	task.clear_ibuf [dreg:s8], $0x2FFFF;
	_ =	strace $0x9FFFFFFF  }
0xc4: {  	(tm) =	ssettm $0x7FFFFFFF  }
0xc5: {  	_ =	shalt  }
tec
execute0_lowered:
.L_overlay_start_1:
0x0: {  	(tag) =	ssettag $0x1  }
0x1: {  	s1 =	rddreg [dreg:$0x0]  }
0x2: {  	s0 =	rddreg [dreg:$0x1]  }
0x3: {  	s2 =	srdreg.scid;
	s4 =	stileid.u32  }
0x4: {  	s3 =	rddreg [dreg:$0x2];
	s14 =	simm.s32 $0x7;
	s16 =	simm.s32 $0x28  }
0x5: {  	s17 =	simm.s32 $0x3390;
	s28 =	simm.s32 $0x1;
	s29 =	simm.s32 $0x4  }
0x6: {  	s30 =	simm.s32 $0x6590;
	s31 =	simm.s32 $0x32F0;
	s18 =	simm.s32 $0x7990  }
0x7: {  	s19 =	simm.s32 $0x3340;
	s20 =	simm.s32 $0x8390;
	s21 =	simm.s32 $0x3368  }
0x8: {  	s22 =	simm.s32 $0x8D90;
	s23 =	simm.s32 $0x2;
	s24 =	simm.s32 $0x6  }
0x9: {  	s2 =	sand.u32 $0x1, s2;
	s5 =	sshll.u32 s4, $0x1;
	s4 =	simm.s32 $0x0  }
0xa: {  	s6 =	sadd.s32 $0xF42E00, s0;
	s0 =	sadd.s32 $0xA00, s0;
	s5 =	sor.u32 s2, s5  }
0xb: {  	[smem:$0x7FF] =	sst s4;
	s2 =	ssub.s32 $0x2, s2;
	s5 =	smul.u32 $0x6400, s5  }
0xc: {  	_ =	strace $0x80000047;
	[dreg:$0x4] =	wrdreg s0;
	s25 =	sshrl.u32 s2, $0x1  }
0xd: {  	s0 =	ssub.s32 s2, s25;
	s2 =	simm.s32 $0x6F90;
	s25 =	simm.s32 $0x0  }
0xe: {  	s7 =	sshrl.u32 s5, $0x3;
	s10 =	sor.u32 $0x190, s5;
	s0 =	smax.u32 s0, $0x1  }
0xf: {  	s11 =	sor.u32 $0x258, s5;
	s7 =	sadd.s32 s1, s7;
	[dreg:$0x7] =	wrdreg s0  }
0x10: {  	s12 =	sor.u32 $0xC8, s5;
	[dreg:$0x5] =	wrdreg s7;
	s26 =	sadd.s32 $0x19, s7  }
0x11: {  	s0 =	simm.s32 $0x3318;
	[dreg:$0x6] =	wrdreg s26;
	s26 =	simm.s32 $0x32C8  }
.LBB2_1:
0x12: {  	s7 =	rddreg [dreg:$0x4]  }
0x13: {  	[tilespmem:s4], [sflag:$0x7] =	stream.linear.gather [hbm4b:s7+s4], $0x3200, $0x38;
	[tilespmem:$0x9790] =	vst v63  }
0x14: {  	_ =	swait.ge [sflag:s14], $0x3200  }
0x15: {  	[sflag:s14] =	ssyncset.done $0x0  }
0x16: {  	s8 =	simm.s32 $0x3200;
	s9 =	rddreg [dreg:$0x5];
	[sflag:s14] =	ssyncadd.s32 $0xFFFFCE00  }
0x17: {  	[tilespmem:s8], [sflag:$0x7] =	stream.linear.gather [hbm4b:s9+s4], $0xC8, $0x38;
	[tilespmem:$0x9790] =	vst v63  }
0x18: {  	_ =	swait.ge [sflag:s14], $0xC8  }
0x19: {  	[sflag:s14] =	ssyncset.done $0x0  }
0x1a: {  	[sflag:s14] =	ssyncadd.s32 $0xFFFFFF38  }
0x1b: {  	[tilespmem:s17], [sflag:$0x1] =	stream.indirect.gather [hbm4b:s6+s16], $0x40, s8, s16, $0xb8;
	[tilespmem:$0x9790] =	vst v63  }
0x1c: {  	s13 =	simm.s32 $0x3228;
	s15 =	simm.s32 $0x3D90  }
0x1d: {  	[tilespmem:s15], [sflag:$0x1] =	stream.indirect.gather [hbm4b:s6+s16], $0x40, s13, s16, $0xb8;
	[tilespmem:$0x9790] =	vst v63  }
0x1e: {  	s9 =	simm.s32 $0x4790;
	s8 =	simm.s32 $0x3250  }
0x1f: {  	[tilespmem:s9], [sflag:$0x1] =	stream.indirect.gather [hbm4b:s6+s16], $0x40, s8, s16, $0xb8;
	[tilespmem:$0x9790] =	vst v63  }
0x20: {  	s13 =	simm.s32 $0x3278;
	s15 =	simm.s32 $0x5190  }
0x21: {  	[tilespmem:s15], [sflag:$0x1] =	stream.indirect.gather [hbm4b:s6+s16], $0x40, s13, s16, $0xb8;
	[tilespmem:$0x9790] =	vst v63  }
0x22: {  	s9 =	simm.s32 $0x32A0;
	s13 =	simm.s32 $0x5B90  }
0x23: {  	[tilespmem:s13], [sflag:$0x1] =	stream.indirect.gather [hbm4b:s6+s16], $0x40, s9, s16, $0xb8;
	[tilespmem:$0x9790] =	vst v63  }
0x24: {  	s7 =	simm.s32 $0x0;
	s15 =	rddreg [dreg:$0x6]  }
0x25: {  	[tilespmem:s26], [sflag:$0x4] =	stream.linear.gather [hbm4b:s15+s4], $0xC8, $0x38;
	[tilespmem:$0x9790] =	vst v63  }
.LBB2_2:
0x26: {  	p0 =	seq.s32 s7, $0x3F  }
0x27: {  	s9 =	smul.u32 @!p0 $0x190, s7  }
0x28: {  	_ =	swait.ge [sflag:s28], $0x3200  }
0x29: {  	[sflag:s28] =	ssyncset.done $0x0;
	s9 =	sadd.s32 @!p0 s9, s10  }
0x2a: {  	s13 =	simm.s32 @!p0 $0x0;
	s15 =	simm.s32 @!p0 $0x3200;
	s9 =	sshrl.u32 @!p0 s9, $0x3  }
0x2b: {  	p1 =	seq.s32 @!p0 s7, $0x0;
	[sflag:s28] =	ssyncadd.s32 $0xFFFFCE00;
	s9 =	sadd.s32 @!p0 s1, s9  }
0x2c: {  	[tilespmem:s15], [sflag:$0x3] =	stream.linear.gather @!p0 [hbm4b:s9+s13], $0xC8, $0x38;
	[tilespmem:$0x9790] =	vst v63  }
0x2d: {  	p0 =	por p0, !p1  }
0x2e: {  	_ =	swait.ge @p0 [sflag:s24], $0x3200  }
0x2f: {  	[sflag:s24] =	ssyncset.done @p0 $0x0  }
0x30: {  	[sflag:s24] =	ssyncadd.s32 @p0 $0xFFFFCE00  }
0x31: {  	_ =	swait.ge [sflag:s29], $0xC8  }
0x32: {  	[sflag:s29] =	ssyncset.done $0x0  }
0x33: {  	[sflag:s29] =	ssyncadd.s32 $0xFFFFFF38  }
0x34: {  	[tilespmem:s30], [sflag:$0x2] =	stream.indirect.gather [hbm4b:s6+s16], $0x40, s26, s16, $0xb8;
	[tilespmem:$0x9790] =	vst v63  }
0x35: {  	_ = 	snop  }
0x36: {  	[tilespmem:s2], [sflag:$0x2] =	stream.indirect.gather [hbm4b:s6+s16], $0x40, s31, s16, $0xb8;
	[tilespmem:$0x9790] =	vst v63  }
0x37: {  	_ = 	snop  }
0x38: {  	[tilespmem:s18], [sflag:$0x2] =	stream.indirect.gather [hbm4b:s6+s16], $0x40, s0, s16, $0xb8;
	[tilespmem:$0x9790] =	vst v63  }
0x39: {  	_ = 	snop  }
0x3a: {  	[tilespmem:s20], [sflag:$0x2] =	stream.indirect.gather [hbm4b:s6+s16], $0x40, s19, s16, $0xb8;
	[tilespmem:$0x9790] =	vst v63  }
0x3b: {  	s15 =	simm.s32 $0x0;
	s9 =	simm.s32 $0x400  }
0x3c: {  	[tilespmem:s22], [sflag:$0x2] =	stream.indirect.gather [hbm4b:s6+s16], $0x40, s21, s16, $0xb8;
	[tilespmem:$0x9790] =	vst v63  }
.LBB2_3:
0x3d: {  	p0 =	sne.s32 s9, $0xC400;
	v0 =	vld [tilespmem:s15+$0xF0]  }
0x3e: {  	v1 =	vld [tilespmem:s15+$0x0]  }
0x3f: {  	v2 =	vld [tilespmem:s15+$0x10]  }
0x40: {  	v3 =	vld [tilespmem:s15+$0x20]  }
0x41: {  	v4 =	vld [tilespmem:s15+$0x30]  }
0x42: {  	[tilespmem:s15+$0x3480] =	vst.add.f32.msk $0xffff, v0  }
0x43: {  	v0 =	vld [tilespmem:s15+$0x40]  }
0x44: {  	v5 =	vld [tilespmem:s15+$0x50]  }
0x45: {  	v6 =	vld [tilespmem:s15+$0x60]  }
0x46: {  	v7 =	vld [tilespmem:s15+$0x70]  }
0x47: {  	v8 =	vld [tilespmem:s15+$0x80]  }
0x48: {  	v9 =	vld [tilespmem:s15+$0x90]  }
0x49: {  	v10 =	vld [tilespmem:s15+$0xA0]  }
0x4a: {  	v11 =	vld [tilespmem:s15+$0xB0]  }
0x4b: {  	v12 =	vld [tilespmem:s15+$0xC0]  }
0x4c: {  	v13 =	vld [tilespmem:s15+$0xD0]  }
0x4d: {  	v14 =	vld [tilespmem:s15+$0xE0]  }
0x4e: {  	[tilespmem:s15+$0x3390] =	vst.add.f32.msk $0xffff, v1  }
0x4f: {  	[tilespmem:s15+$0x33A0] =	vst.add.f32.msk $0xffff, v2  }
0x50: {  	[tilespmem:s15+$0x33B0] =	vst.add.f32.msk $0xffff, v3  }
0x51: {  	[tilespmem:s15+$0x33C0] =	vst.add.f32.msk $0xffff, v4  }
0x52: {  	[tilespmem:s15+$0x33D0] =	vst.add.f32.msk $0xffff, v0  }
0x53: {  	[tilespmem:s15+$0x33E0] =	vst.add.f32.msk $0xffff, v5  }
0x54: {  	[tilespmem:s15+$0x33F0] =	vst.add.f32.msk $0xffff, v6  }
0x55: {  	[tilespmem:s15+$0x3400] =	vst.add.f32.msk $0xffff, v7  }
0x56: {  	[tilespmem:s15+$0x3410] =	vst.add.f32.msk $0xffff, v8  }
0x57: {  	[tilespmem:s15+$0x3420] =	vst.add.f32.msk $0xffff, v9  }
.Ltmp0:
0x58: {  	[tilespmem:s15+$0x3430] =	vst.add.f32.msk $0xffff, v10;
	(pc) =	sbr.rel @p0 .LBB2_3-.Ltmp0, $4  }
0x59: {  	[tilespmem:s15+$0x3440] =	vst.add.f32.msk $0xffff, v11  }
0x5a: {  	[tilespmem:s15+$0x3450] =	vst.add.f32.msk $0xffff, v12  }
0x5b: {  	[tilespmem:s15+$0x3460] =	vst.add.f32.msk $0xffff, v13  }
0x5c: {  	[tilespmem:s15+$0x3470] =	vst.add.f32.msk $0xffff, v14;
	s15 =	sshra.s32 s9, $0x2;
	s9 =	sadd.s32 $0x400, s9  }
0x5d: {  	v0 =	vld [tilespmem:s15+$0xF0]  }
0x5e: {  	v1 =	vld [tilespmem:s15+$0x0]  }
0x5f: {  	v2 =	vld [tilespmem:s15+$0x10]  }
0x60: {  	v3 =	vld [tilespmem:s15+$0x20]  }
0x61: {  	v4 =	vld [tilespmem:s15+$0x30]  }
0x62: {  	v63 =	vld [tilespmem:s15+$0x40]  }
0x63: {  	v5 =	vld [tilespmem:s15+$0x50]  }
0x64: {  	v6 =	vld [tilespmem:s15+$0x60]  }
0x65: {  	v7 =	vld [tilespmem:s15+$0x70]  }
0x66: {  	v8 =	vld [tilespmem:s15+$0x80]  }
0x67: {  	v9 =	vld [tilespmem:s15+$0x90]  }
0x68: {  	v10 =	vld [tilespmem:s15+$0xA0]  }
0x69: {  	v11 =	vld [tilespmem:s15+$0xB0]  }
0x6a: {  	v12 =	vld [tilespmem:s15+$0xC0]  }
0x6b: {  	v13 =	vld [tilespmem:s15+$0xD0]  }
0x6c: {  	v14 =	vld [tilespmem:s15+$0xE0]  }
0x6d: {  	[tilespmem:s15+$0x3480] =	vst.add.f32.msk $0xffff, v0  }
0x6e: {  	[tilespmem:s15+$0x3390] =	vst.add.f32.msk $0xffff, v1  }
0x6f: {  	[tilespmem:s15+$0x33A0] =	vst.add.f32.msk $0xffff, v2  }
0x70: {  	[tilespmem:s15+$0x33B0] =	vst.add.f32.msk $0xffff, v3  }
0x71: {  	[tilespmem:s15+$0x33C0] =	vst.add.f32.msk $0xffff, v4  }
0x72: {  	[tilespmem:s15+$0x33D0] =	vst.add.f32.msk $0xffff, v63  }
0x73: {  	[tilespmem:s15+$0x33E0] =	vst.add.f32.msk $0xffff, v5  }
0x74: {  	[tilespmem:s15+$0x33F0] =	vst.add.f32.msk $0xffff, v6  }
0x75: {  	[tilespmem:s15+$0x3400] =	vst.add.f32.msk $0xffff, v7  }
0x76: {  	[tilespmem:s15+$0x3410] =	vst.add.f32.msk $0xffff, v8  }
0x77: {  	[tilespmem:s15+$0x3420] =	vst.add.f32.msk $0xffff, v9  }
0x78: {  	s9 =	smul.u32 $0x190, s7;
	[tilespmem:s15+$0x3430] =	vst.add.f32.msk $0xffff, v10  }
0x79: {  	[tilespmem:s15+$0x3440] =	vst.add.f32.msk $0xffff, v11  }
0x7a: {  	s13 =	sadd.s32 s5, s9;
	[tilespmem:s15+$0x3450] =	vst.add.f32.msk $0xffff, v12  }
0x7b: {  	s13 =	sshll.u32 s13, $0x3;
	[tilespmem:s15+$0x3460] =	vst.add.f32.msk $0xffff, v13  }
0x7c: {  	p0 =	sne.s32 s7, $0x3F;
	s13 =	sadd.s32 s3, s13;
	[tilespmem:s15+$0x3470] =	vst.add.f32.msk $0xffff, v14  }
0x7d: {  	[hbm4b:s13+s4] =	stream.linear.scatter [tilespmem:s17], [sflag:$0x5], $0x3200, $0x38;
	[tilespmem:$0x9790] =	vst v63  }
0x7e: {  	s13 =	sadd.s32 @p0 s9, s11;
	_ =	swait.ge [sflag:s23], $0x3200  }
0x7f: {  	s8 =	simm.s32 @p0 $0x32C8;
	s13 =	sshrl.u32 @p0 s13, $0x3;
	[sflag:s23] =	ssyncset.done $0x0  }
0x80: {  	s15 =	simm.s32 @p0 $0x0;
	s13 =	sadd.s32 @p0 s1, s13;
	[sflag:s23] =	ssyncadd.s32 $0xFFFFCE00  }
0x81: {  	[tilespmem:s8], [sflag:$0x4] =	stream.linear.gather @p0 [hbm4b:s13+s15], $0xC8, $0x38;
	[tilespmem:$0x9790] =	vst v63  }
0x82: {  	s8 =	simm.s32 @p0 $0x5  }
0x83: {  	_ =	swait.ge @p0 [sflag:s8], $0x3200  }
0x84: {  	[sflag:s8] =	ssyncset.done @p0 $0x0  }
0x85: {  	[sflag:s8] =	ssyncadd.s32 @p0 $0xFFFFCE00;
	s8 =	simm.s32 @p0 $0x3  }
0x86: {  	_ =	swait.ge @p0 [sflag:s8], $0xC8  }
0x87: {  	s13 =	simm.s32 @p0 $0x3200;
	[sflag:s8] =	ssyncset.done @p0 $0x0  }
0x88: {  	s15 =	simm.s32 @p0 $0x3390;
	[sflag:s8] =	ssyncadd.s32 @p0 $0xFFFFFF38;
	s8 =	simm.s32 @p0 $0x28  }
0x89: {  	[tilespmem:s15], [sflag:$0x1] =	stream.indirect.gather @p0 [hbm4b:s6+s8], $0x40, s13, s8, $0xb8;
	[tilespmem:$0x9790] =	vst v63  }
0x8a: {  	s13 =	simm.s32 @p0 $0x3228;
	s15 =	simm.s32 @p0 $0x3D90  }
0x8b: {  	[tilespmem:s15], [sflag:$0x1] =	stream.indirect.gather @p0 [hbm4b:s6+s8], $0x40, s13, s8, $0xb8;
	[tilespmem:$0x9790] =	vst v63  }
0x8c: {  	s13 =	simm.s32 @p0 $0x3250;
	s15 =	simm.s32 @p0 $0x4790  }
0x8d: {  	[tilespmem:s15], [sflag:$0x1] =	stream.indirect.gather @p0 [hbm4b:s6+s8], $0x40, s13, s8, $0xb8;
	[tilespmem:$0x9790] =	vst v63  }
0x8e: {  	s13 =	simm.s32 @p0 $0x3278;
	s15 =	simm.s32 @p0 $0x5190  }
0x8f: {  	[tilespmem:s15], [sflag:$0x1] =	stream.indirect.gather @p0 [hbm4b:s6+s8], $0x40, s13, s8, $0xb8;
	[tilespmem:$0x9790] =	vst v63  }
0x90: {  	s13 =	simm.s32 @p0 $0x32A0;
	s15 =	simm.s32 @p0 $0x5B90  }
0x91: {  	[tilespmem:s15], [sflag:$0x1] =	stream.indirect.gather @p0 [hbm4b:s6+s8], $0x40, s13, s8, $0xb8;
	[tilespmem:$0x9790] =	vst v63  }
0x92: {  	s8 =	simm.s32 @!p0 $0x5  }
0x93: {  	_ =	swait.ge @!p0 [sflag:s8], $0x3200  }
0x94: {  	[sflag:s8] =	ssyncset.done @!p0 $0x0  }
0x95: {  	s15 =	simm.s32 $0x0;
	s13 =	simm.s32 $0x400;
	[sflag:s8] =	ssyncadd.s32 @!p0 $0xFFFFCE00  }
.LBB2_5:
0x96: {  	p0 =	sne.s32 s13, $0xC400;
	v0 =	vld [tilespmem:s15+$0xF0]  }
0x97: {  	v1 =	vld [tilespmem:s15+$0x0]  }
0x98: {  	v2 =	vld [tilespmem:s15+$0x10]  }
0x99: {  	v3 =	vld [tilespmem:s15+$0x20]  }
0x9a: {  	v4 =	vld [tilespmem:s15+$0x30]  }
0x9b: {  	[tilespmem:s15+$0x6680] =	vst.add.f32.msk $0xffff, v0  }
0x9c: {  	v0 =	vld [tilespmem:s15+$0x40]  }
0x9d: {  	v5 =	vld [tilespmem:s15+$0x50]  }
0x9e: {  	v6 =	vld [tilespmem:s15+$0x60]  }
0x9f: {  	v7 =	vld [tilespmem:s15+$0x70]  }
0xa0: {  	v8 =	vld [tilespmem:s15+$0x80]  }
0xa1: {  	v9 =	vld [tilespmem:s15+$0x90]  }
0xa2: {  	v10 =	vld [tilespmem:s15+$0xA0]  }
0xa3: {  	v11 =	vld [tilespmem:s15+$0xB0]  }
0xa4: {  	v12 =	vld [tilespmem:s15+$0xC0]  }
0xa5: {  	v13 =	vld [tilespmem:s15+$0xD0]  }
0xa6: {  	v14 =	vld [tilespmem:s15+$0xE0]  }
0xa7: {  	[tilespmem:s15+$0x6590] =	vst.add.f32.msk $0xffff, v1  }
0xa8: {  	[tilespmem:s15+$0x65A0] =	vst.add.f32.msk $0xffff, v2  }
0xa9: {  	[tilespmem:s15+$0x65B0] =	vst.add.f32.msk $0xffff, v3  }
0xaa: {  	[tilespmem:s15+$0x65C0] =	vst.add.f32.msk $0xffff, v4  }
0xab: {  	[tilespmem:s15+$0x65D0] =	vst.add.f32.msk $0xffff, v0  }
0xac: {  	[tilespmem:s15+$0x65E0] =	vst.add.f32.msk $0xffff, v5  }
0xad: {  	[tilespmem:s15+$0x65F0] =	vst.add.f32.msk $0xffff, v6  }
0xae: {  	[tilespmem:s15+$0x6600] =	vst.add.f32.msk $0xffff, v7  }
0xaf: {  	[tilespmem:s15+$0x6610] =	vst.add.f32.msk $0xffff, v8  }
0xb0: {  	[tilespmem:s15+$0x6620] =	vst.add.f32.msk $0xffff, v9  }
.Ltmp1:
0xb1: {  	[tilespmem:s15+$0x6630] =	vst.add.f32.msk $0xffff, v10;
	(pc) =	sbr.rel @p0 .LBB2_5-.Ltmp1, $4  }
0xb2: {  	[tilespmem:s15+$0x6640] =	vst.add.f32.msk $0xffff, v11  }
0xb3: {  	[tilespmem:s15+$0x6650] =	vst.add.f32.msk $0xffff, v12  }
0xb4: {  	[tilespmem:s15+$0x6660] =	vst.add.f32.msk $0xffff, v13  }
0xb5: {  	[tilespmem:s15+$0x6670] =	vst.add.f32.msk $0xffff, v14;
	s15 =	sshra.s32 s13, $0x2;
	s13 =	sadd.s32 $0x400, s13  }
0xb6: {  	v0 =	vld [tilespmem:s15+$0xF0]  }
0xb7: {  	v1 =	vld [tilespmem:s15+$0x0]  }
0xb8: {  	v2 =	vld [tilespmem:s15+$0x10]  }
0xb9: {  	v3 =	vld [tilespmem:s15+$0x20]  }
0xba: {  	v4 =	vld [tilespmem:s15+$0x30]  }
0xbb: {  	v63 =	vld [tilespmem:s15+$0x40]  }
0xbc: {  	v5 =	vld [tilespmem:s15+$0x50]  }
0xbd: {  	v6 =	vld [tilespmem:s15+$0x60]  }
0xbe: {  	v7 =	vld [tilespmem:s15+$0x70]  }
0xbf: {  	v8 =	vld [tilespmem:s15+$0x80]  }
0xc0: {  	v9 =	vld [tilespmem:s15+$0x90]  }
0xc1: {  	v10 =	vld [tilespmem:s15+$0xA0]  }
0xc2: {  	v11 =	vld [tilespmem:s15+$0xB0]  }
0xc3: {  	v12 =	vld [tilespmem:s15+$0xC0]  }
0xc4: {  	v13 =	vld [tilespmem:s15+$0xD0]  }
0xc5: {  	v14 =	vld [tilespmem:s15+$0xE0]  }
0xc6: {  	[tilespmem:s15+$0x6680] =	vst.add.f32.msk $0xffff, v0  }
0xc7: {  	[tilespmem:s15+$0x6590] =	vst.add.f32.msk $0xffff, v1  }
0xc8: {  	[tilespmem:s15+$0x65A0] =	vst.add.f32.msk $0xffff, v2  }
0xc9: {  	[tilespmem:s15+$0x65B0] =	vst.add.f32.msk $0xffff, v3  }
0xca: {  	[tilespmem:s15+$0x65C0] =	vst.add.f32.msk $0xffff, v4  }
0xcb: {  	[tilespmem:s15+$0x65D0] =	vst.add.f32.msk $0xffff, v63  }
0xcc: {  	[tilespmem:s15+$0x65E0] =	vst.add.f32.msk $0xffff, v5  }
0xcd: {  	[tilespmem:s15+$0x65F0] =	vst.add.f32.msk $0xffff, v6  }
0xce: {  	[tilespmem:s15+$0x6600] =	vst.add.f32.msk $0xffff, v7  }
0xcf: {  	[tilespmem:s15+$0x6610] =	vst.add.f32.msk $0xffff, v8  }
0xd0: {  	s7 =	sadd.s32 $0x1, s7;
	[tilespmem:s15+$0x6620] =	vst.add.f32.msk $0xffff, v9  }
0xd1: {  	p0 =	sne.s32 s7, $0x40;
	[tilespmem:s15+$0x6630] =	vst.add.f32.msk $0xffff, v10  }
.Ltmp2:
0xd2: {  	s8 =	sadd.s32 s9, s12;
	[tilespmem:s15+$0x6640] =	vst.add.f32.msk $0xffff, v11;
	(pc) =	sbr.rel @p0 .LBB2_2-.Ltmp2, $4  }
0xd3: {  	s8 =	sshll.u32 s8, $0x3;
	[tilespmem:s15+$0x6650] =	vst.add.f32.msk $0xffff, v12  }
0xd4: {  	s8 =	sand.u32 $0x1FFFFFC0, s8;
	[tilespmem:s15+$0x6660] =	vst.add.f32.msk $0xffff, v13  }
0xd5: {  	s8 =	sadd.s32 s3, s8;
	[tilespmem:s15+$0x6670] =	vst.add.f32.msk $0xffff, v14  }
0xd6: {  	[hbm4b:s8+s4] =	stream.linear.scatter [tilespmem:s30], [sflag:$0x6], $0x3200, $0x38;
	[tilespmem:$0x9790] =	vst v63  }
0xd7: {  	_ =	swait.ge [sflag:s24], $0x3200  }
0xd8: {  	s25 =	sadd.s32 $0x1, s25;
	s7 =	rddreg [dreg:$0x7]  }
0xd9: {  	p0 =	sne.s32 s25, s7  }
.Ltmp3:
0xda: {  	_ = 	snop;
	(pc) =	sbr.rel @p0 .LBB2_1-.Ltmp3, $3  }
0xdb: {  	_ =	sdelay $0x1  }
0xdc: {  	[sflag:s24] =	ssyncset.done $0x0  }
0xdd: {  	[sflag:s24] =	ssyncadd.s32 $0xFFFFCE00  }
0xde: {  	_ =	sfence.sel $0x180000  }
0xdf: {  	[bflag:$0x0] =	sbarrier.arrive $0xFFFF  }
0xe0: {  	_ =	strace $0x90000047  }
0xe1: {  	s0 =	stileid.u32;
	[bflag:$0x2] =	sbarrier.arrive $0xFFFF  }
0xe2: {  	p0 =	sne.s32 s0, $0x0;
	s0 =	rddreg [dreg:$0x3]  }
0xe3: {  	s0 =	sadd.s32 @!p0 $0x100000, s0  }
0xe4: {  	[sflag:s0] =	ssyncadd.tile.s32 @!p0 $0x1;
	_ =	shalt  }
.Lfunc_end2:
_tile_overlayer_lowered:
.L_overlay_start_2:
0xe5: {  	(tag) =	ssettag $0x2  }
0xe6: {  	s0 =	rddreg [dreg:$0x0];
	s2 =	stileid.u32  }
0xe7: {  	s1 =	rddreg [dreg:$0x1];
	p0 =	sne.s32 s2, $0x0  }
0xe8: {  	s3 =	rddreg [dreg:$0x2];
	[bflag:$0x3] =	sbarrier.arrive $0xFFFF;
	s2 =	simm.s32 @!p0 $0x1C07  }
0xe9: {  	[timem:s3], [sflag:s2] =	dma.local @!p0 [hbm:s0], s1  }
0xea: {  	s0 =	simm.s32 @!p0 $0x7  }
0xeb: {  	_ =	swait.ge @!p0 [sflag:s0], s1  }
0xec: {  	s1 =	ssub.s32 @!p0 $0x0, s1;
	[sflag:s0] =	ssyncset.done @!p0 $0x0  }
0xed: {  	[sflag:s0] =	ssyncadd.s32 @!p0 s1  }
0xee: {  	[bflag:$0x3] =	sbarrier.arrive $0xFFFF  }
0xef: {  	_ =	shalt  }

// kernel: sparse-core-data-format-call.cloned.1.call-start
scs
called_computation_lowered:
.L_overlay_start_0:
0x0: {  	s2 =	sld [smem:$0x3FD9]  }
0x1: {  	s3 =	sld [smem:$0x3FFE];
	_ =	sdelay $0x1  }
0x2: {  	s1 =	srdreg.scid  }
0x3: {  	s0 =	sand.u32 $0x1, s1  }
0x4: {  	s18 =	sshll.u32 s0, $0xA;
	s2 =	sadd.s32 s3, s2  }
0x5: {  	s2 =	sadd.s32 s2, s18  }
0x6: {  	[smem:$0x3FC5] =	sst s2  }
0x7: {  	_ = 	snop  }
0x8: {  	s2 =	sld [smem:$0x3FD0];
	(tm) =	ssettm $0x1  }
0x9: {  	s19 =	sld [smem:$0x3FFB];
	_ =	sdelay $0x3  }
0xa: {  	_ =	strace s19  }
0xb: {  	s3 =	sld [smem:$0x3FFC];
	_ =	sdelay $0x3  }
0xc: {  	_ =	strace s3  }
0xd: {  	s3 =	sld [smem:$0x3FFD];
	_ =	sdelay $0x3  }
0xe: {  	_ =	strace s3  }
0xf: {  	_ =	strace $0x8FFFFFFF  }
0x10: {  	s20 =	sld [smem:$0x3FDB];
	_ =	sdelay $0x1  }
0x11: {  	s4 =	simm.s32 $_scs_section_size  }
0x12: {  	s5 =	simm.s32 $_size__tile_overlayer_lowered;
	s6 =	simm.s32 $_tile_overlayer_lowered  }
0x13: {  	s23 =	simm.s32 $0x1BFF;
	s22 =	sshll.u32 s6, $0x1;
	s3 =	sadd.s32 s4, s20  }
0x14: {  	s7 =	simm.s32 $0x0;
	s21 =	sshll.u32 s5, $0x1;
	s5 =	sadd.s32 s22, s3  }
0x15: {  	[timem:s7], [sflag:s23] =	dma.local [hbm:s5], s21  }
0x16: {  	_ =	swait.ge [sflag:s23], s21  }
0x17: {  	s4 =	ssub.s32 $0x0, s21;
	[sflag:s23] =	ssyncset.done $0x0  }
0x18: {  	[sflag:s23] =	ssyncadd.s32 s4;
	_ =	sdelay $0x1  }
0x19: {  	s24 =	simm.s32 $0x1B8B  }
0x1a: {  	_ =	swait.ge [sflag:s24], $0x1  }
0x1b: {  	[sflag:s24] =	ssyncset.done $0x0  }
0x1c: {  	s26 =	simm.s32 $0x1B8E;
	s25 =	sld [smem:$0x3FFE];
	[sflag:s24] =	ssyncadd.s32 $0xFFFFFFFF  }
0x1d: {  	s27 =	simm.s32 $execute0_lowered;
	[smem:$0x3FD2] =	sst s26  }
0x1e: {  	s5 =	sshll.u32 s27, $0x1;
	_ =	strace $0x80000049;
	[dreg:$0x1] =	wrdreg $0xFFFFFFFF  }
0x1f: {  	s28 =	simm.s32 $_size_execute0_lowered;
	s3 =	sadd.s32 s3, s5;
	[dreg:$0x0] =	wrdreg $0x0  }
0x20: {  	s5 =	sshll.u32 s28, $0x1;
	[dreg:$0x2] =	wrdreg s3  }
0x21: {  	[dreg:$0x3] =	wrdreg s5  }
0x22: {  	[dreg:$0x4] =	wrdreg $0xC0  }
0x23: {  	_ =	task [dreg:s7], $0x5FFFF  }
0x24: {  	[dreg:$0x1] =	wrdreg $0xFFFFFFFF  }
0x25: {  	[dreg:$0x0] =	wrdreg $0x60  }
0x26: {  	[dreg:$0x2] =	wrdreg s25  }
0x27: {  	[dreg:$0x3] =	wrdreg s2  }
0x28: {  	[dreg:$0x4] =	wrdreg $0x9  }
0x29: {  	_ =	task.clear_ibuf [dreg:s7], $0x5FFFF;
	_ =	strace $0x90000049  }
0x2a: {  	s29 =	simm.s32 $0x9;
	_ =	strace $0x8000004B  }
0x2b: {  	_ =	swait.ge [sflag:s29], $0x1  }
0x2c: {  	[sflag:s29] =	ssyncadd.s32 $0xFFFFFFFF  }
0x2d: {  	_ =	strace $0x9000004B  }
0x2e: {  	_ =	sfence  }
0x2f: {  	s30 =	sld [smem:$0x0];
	_ =	sdelay $0x2  }
0x30: {  	s31 =	sshll.u32 s1, $0xD;
	s1 =	sshrl.u32 s1, $0x2  }
0x31: {  	s3 =	sand.u32 $0x4000, s31;
	s1 =	sadd.s32 s1, s30  }
0x32: {  	s0 =	sor.u32 s3, s0;
	s1 =	sshll.u32 s1, $0x11  }
0x33: {  	s0 =	sor.u32 s1, s0  }
0x34: {  	s0 =	sadd.s32 $0x8F2B, s0  }
0x35: {  	[sflag:s0] =	ssyncadd.remote.s32 $0x1  }
0x36: {  	_ =	sfence.sel $0xFFFF  }
0x37: {  	[dreg:$0x0] =	wrdreg $0xFFFFFFFF;
	(pc) =	sbr.abs _section_cstart, $3  }
0x38: {  	[dreg:$0x1] =	wrdreg $0xFFFFFFFF  }
0x39: {  	_ =	task.clear_ibuf [dreg:s7], $0x2FFFF;
	_ =	strace $0x9FFFFFFF  }
0x3a: {  	(tm) =	ssettm $0x7FFFFFFF  }
0x3b: {  	_ =	shalt  }
tec
execute0_lowered:
.L_overlay_start_1:
0x0: {  	(tag) =	ssettag $0x1  }
0x1: {  	s0 =	srdreg.scid  }
0x2: {  	s1 =	sshll.u32 s0, $0x4  }
0x3: {  	s4 =	rddreg [dreg:$0x0];
	s0 =	stileid.u32;
	s1 =	sand.u32 $0x10, s1  }
0x4: {  	s2 =	rddreg [dreg:$0x1];
	s7 =	simm.s32 $0x1;
	s1 =	sor.u32 s0, s1  }
0x5: {  	s8 =	simm.s32 $0x2;
	s11 =	simm.s32 $0x0;
	s3 =	sshll.u32 s1, $0x7  }
0x6: {  	s10 =	simm.s32 $0x0;
	s4 =	sadd.s32 $0xA00, s4;
	s6 =	ssub.s32 $0xC8000, s3  }
.Ltmp0:
0x7: {  	s1 =	rddreg [dreg:$0x2];
	s5 =	sand.u32 $0xF80, s6;
	(pc) =	sbr.rel .LBB1_1-.Ltmp0, $4  }
0x8: {  	_ =	strace $0x8000004A;
	s9 =	smov.u32 s3;
	p0 =	sne.s32 s5, $0x0  }
0x9: {  	s6 =	sshrl.u32 s6, $0xC;
	s5 =	simm.s32 $0x1;
	s7 =	simm.s32 @!p0 $0x0  }
0xa: {  	[sflag:s5] =	ssyncpa.u1 $0x0;
	p0 =	por $0x0, $0x0;
	s6 =	sadd.s32 s7, s6  }
0xb: {  	[sflag:s8] =	ssyncpa.u1 $0x0;
	s8 =	simm.s32 $0x640000;
	s7 =	sadd.s32 $0x1, s6  }
.LBB1_4:
0xc: {  	s14 =	sshll.u32 s11, $0x3  }
0xd: {  	s30 =	sand.u32 $0x7F, s11;
	s15 =	sand.u32 $0xFFFFFC00, s14  }
0xe: {  	s11 =	sor.u32 s30, s15  }
0xf: {  	s15 =	smulhi.u32 $0x51EB851F, s11  }
0x10: {  	s14 =	smulhi.u32 $0x51EB851F, s14  }
0x11: {  	s15 =	sshrl.u32 s15, $0x12  }
0x12: {  	s14 =	sshrl.u32 s14, $0x12;
	s15 =	smul.u32 $0xC8000, s15  }
0x13: {  	s14 =	sand.u32 $0x3F, s14  }
0x14: {  	s14 =	smul.u32 $0x19000, s14;
	s11 =	ssub.s32 s11, s15  }
0x15: {  	[tilespmem:s13+$0x810 ss:$0x81] =	vst.msk $0xffff, v2;
	s15 =	sand.u32 $0x7, s11  }
0x16: {  	[tilespmem:s13+$0x1020 ss:$0x81] =	vst.msk $0xffff, v0;
	s14 =	sadd.s32 s2, s14;
	s11 =	sshrl.u32 s11, $0x3;
	s15 =	sshll.u32 s15, $0x12  }
0x17: {  	[tilespmem:s13+$0x0 ss:$0x81] =	vst.msk $0xffff, v1;
	s11 =	sadd.s32 s11, s14;
	s31 =	sor.u32 $0x400, s15  }
0x18: {  	[hbm4b:s11+s31] =	stream.strided.scatter [tilespmem:s12], [sflag:$0x2], $0x2000, s8, s31, $0x20;
	[tilespmem:$0x8080] =	vst v63  }
.LBB1_5:
0x19: {  	s13 =	sadd.s32 $0x1000, s9  }
0x1a: {  	p2 =	sgt.s32 s13, $0xC7FFF  }
0x1b: {  	s13 =	smov.u32 @p2 s3;
	p2 =	sne.s32 s10, s7  }
.Ltmp1:
0x1c: {  	p1 =	slt.u32 s10, $0x2;
	(pc) =	sbr.rel @!p2 .LBB1_6-.Ltmp1, $4  }
0x1d: {  	s12 =	simm.s32 @!p1 $0x2  }
0x1e: {  	s14 =	sadd.s32 $0x1, s10;
	_ =	swait.ge @!p1 [sflag:s12], $0x2000  }
0x1f: {  	s11 =	smov.u32 s9;
	p0 =	por !p0, !p0;
	[sflag:s12] =	ssyncset.done @!p1 $0x0  }
0x20: {  	s10 =	smov.u32 s14;
	s9 =	smov.u32 s13;
	[sflag:s12] =	ssyncadd.s32 @!p1 $0xFFFFE000  }
.LBB1_1:
0x21: {  	p1 =	sge.u32 s10, s6  }
0x22: {  	s12 =	sand.u32 @!p1 $0x1FFFFFF, s9  }
0x23: {  	s13 =	smulhi.u32 @!p1 $0x147AE15, s12;
	_ =	sdelay $0x1  }
0x24: {  	s13 =	sshrl.u32 @!p1 s13, $0xC  }
0x25: {  	s13 =	smul.u32 @!p1 $0xC8000, s13;
	_ =	sdelay $0x1  }
0x26: {  	s31 =	sadd.s32 $0xFFFFFFFF, s10;
	s14 =	sxor.u32 @!p1 $0xFFFFFFFF, s10;
	s12 =	ssub.s32 @!p1 s12, s13  }
0x27: {  	s15 =	simm.s32 @!p1 $0x80;
	s14 =	sshll.u32 @!p1 s14, $0xD;
	s12 =	sshll.u32 @!p1 s12, $0x4  }
0x28: {  	s13 =	sand.u32 @!p1 $0x2000, s14;
	s14 =	simm.s32 @!p1 $0x40;
	s12 =	sadd.s32 @!p1 s4, s12  }
0x29: {  	[tilespmem:s13], [sflag:$0x1] =	stream.strided.gather @!p1 [hbm4b:s12+s14], $0x2000, s15, s14, $0x38;
	[tilespmem:$0x8080] =	vst v63  }
0x2a: {  	p1 =	sge.u32 s31, s6  }
.Ltmp2:
0x2b: {  	_ = 	snop;
	(pc) =	sbr.rel @p1 .LBB1_5-.Ltmp2, $1  }
0x2c: {  	_ =	sdelay $0x3  }
0x2d: {  	s12 =	simm.s32 $0x1  }
0x2e: {  	_ =	swait.ge [sflag:s5], $0x2000;
	s12 =	simm.s32 @!p0 $0x0  }
0x2f: {  	[sflag:s5] =	ssyncset.done $0x0;
	s13 =	sshll.u32 s12, $0xD  }
0x30: {  	[sflag:s5] =	ssyncadd.s32 $0xFFFFE000;
	s16 =	sor.u32 $0x20, s13  }
0x31: {  	s12 =	smul.u32 $0x8100, s12;
	v3 =	vld [tilespmem:s16+$0x10]  }
0x32: {  	s30 =	sand.u32 $0x1, s10;
	v2 =	vld [tilespmem:s16+$0xFFFFFFF0]  }
0x33: {  	s13 =	smul.u32 $0x8100, s30;
	s12 =	sshrl.u32 s12, $0x2;
	v0 =	vld [tilespmem:s16+$0x0]  }
0x34: {  	v1 =	vld [tilespmem:s16+$0xFFFFFFE0];
	s14 =	sor.u32 $0x4000, s12  }
0x35: {  	s31 =	sshrl.u32 s13, $0x2;
	s13 =	sadd.s32 $0x0, s14  }
0x36: {  	s15 =	simm.s32 $0x4;
	s16 =	sadd.s32 $0x40, s16;
	s12 =	sor.u32 $0x4000, s31;
	[tilespmem:s13+$0x1830 ss:$0x81] =	vst.msk $0xffff, v3  }
.LBB1_3:
0x37: {  	v3 =	vld [tilespmem:s16+$0x10];
	p1 =	sne.s32 s15, $0x1FC;
	[tilespmem:s13+$0x810 ss:$0x81] =	vst.msk $0xffff, v2;
	s17 =	smov.u32 s15;
	s15 =	sadd.s32 $0x4, s15  }
.Ltmp3:
0x38: {  	v2 =	vld [tilespmem:s16+$0xFFFFFFF0];
	[tilespmem:s13+$0x1020 ss:$0x81] =	vst.msk $0xffff, v0;
	(pc) =	sbr.rel @p1 .LBB1_3-.Ltmp3, $4  }
0x39: {  	v0 =	vld [tilespmem:s16+$0x0];
	[tilespmem:s13+$0x0 ss:$0x81] =	vst.msk $0xffff, v1  }
0x3a: {  	s13 =	sshra.s32 s17, $0x2;
	v1 =	vld [tilespmem:s16+$0xFFFFFFE0]  }
0x3b: {  	s13 =	sadd.s32 s13, s14  }
0x3c: {  	s16 =	sadd.s32 $0x40, s16;
	[tilespmem:s13+$0x1830 ss:$0x81] =	vst.msk $0xffff, v3  }
.Ltmp4:
0x3d: {  	_ = 	snop;
	(pc) =	sbr.rel .LBB1_4-.Ltmp4, $1  }
0x3e: {  	_ =	sdelay $0x3  }
.LBB1_6:
0x3f: {  	_ =	sfence.sel $0x180000  }
0x40: {  	s2 =	simm.s32 $0x1;
	[bflag:$0x0] =	sbarrier.arrive $0xFFFF  }
0x41: {  	s31 =	simm.s32 $0x2;
	[sflag:s2] =	ssyncpa.u1 $0x1  }
0x42: {  	[sflag:s31] =	ssyncpa.u1 $0x1  }
0x43: {  	p0 =	sne.s32 s0, $0x0;
	_ =	strace $0x9000004A  }
0x44: {  	s0 =	sadd.s32 @!p0 $0x100000, s1;
	[bflag:$0x2] =	sbarrier.arrive $0xFFFF  }
0x45: {  	[sflag:s0] =	ssyncadd.tile.s32 @!p0 $0x1;
	_ =	shalt  }
.Lfunc_end1:
_tile_overlayer_lowered:
.L_overlay_start_2:
0x46: {  	(tag) =	ssettag $0x2  }
0x47: {  	s0 =	rddreg [dreg:$0x0];
	s2 =	stileid.u32  }
0x48: {  	s1 =	rddreg [dreg:$0x1];
	p0 =	sne.s32 s2, $0x0  }
0x49: {  	s3 =	rddreg [dreg:$0x2];
	[bflag:$0x3] =	sbarrier.arrive $0xFFFF;
	s2 =	simm.s32 @!p0 $0x1C01  }
0x4a: {  	[timem:s3], [sflag:s2] =	dma.local @!p0 [hbm:s0], s1  }
0x4b: {  	s0 =	simm.s32 @!p0 $0x1  }
0x4c: {  	_ =	swait.ge @!p0 [sflag:s0], s1  }
0x4d: {  	s1 =	ssub.s32 @!p0 $0x0, s1;
	[sflag:s0] =	ssyncset.done @!p0 $0x0  }
0x4e: {  	[sflag:s0] =	ssyncadd.s32 @!p0 s1  }
0x4f: {  	[bflag:$0x3] =	sbarrier.arrive $0xFFFF  }
0x50: {  	_ =	shalt  }

</sc_bundles>
